<compile_context>
chip_gen: v7x
topology: tpu7x:2x2x1
jax: 0.10.2.dev20260603
libtpu: 0.0.44.dev20260713+nightly
codegen_flags: <defaults>
</compile_context>

<pallas_src>
import jax
import jax.numpy as jnp
from jax import lax
from jax.experimental import pallas as pl
from jax.experimental.pallas import tpu as pltpu
from jax.experimental.pallas import tpu_sc as plsc

_IMAGE_TOKEN_INDEX = -200

_L, _B, _T, _D = 33, 2, 2048, 768
_P = 576
_N = 3 * _B
_LP = 48
_NS_C = 12
_RPW = _P // _NS_C


def _sc_body(hs_ref, w_ref, meta_ref, msk_ref, g_ref, out1_ref, out2_ref,
             meta_v, msk_v, idx_v, idx2_v, idx3_v, seg_v, w_v, g_v, out1_v,
             pub_v, base_v, shared, stage_v, sem, sem2, sem3, sem4):
    c = lax.axis_index("c")
    s = lax.axis_index("s")
    i16 = lax.iota(jnp.int32, 16)

    @pl.when(s < 3)
    def _compute():
        n = c * 3 + s
        tch = pltpu.async_copy(meta_ref, meta_v, sem)
        mch = pltpu.async_copy(msk_ref.at[pl.ds(c * _T, _T)], msk_v, sem2)
        gmch = pltpu.async_copy(g_ref.at[pl.ds(n * _LP, _LP)], g_v, sem3)
        wch = pltpu.async_copy(w_ref, w_v, sem4)
        mch.wait()

        def body(i, carry):
            m0, m1, m2 = carry
            v = msk_v[pl.ds(16 * i, 16)]
            p = jnp.where(v != 0, i16 + 16 * i, _T)
            t0 = jnp.minimum(m0, p)
            t1 = jnp.maximum(m0, p)
            u1 = jnp.minimum(m1, t1)
            u2 = jnp.maximum(m1, t1)
            v2 = jnp.minimum(m2, u2)
            return (t0, u1, v2)

        topT = jnp.full((16,), _T, jnp.int32)
        m0, m1, m2 = lax.fori_loop(0, _T // 16, body, (topT, topT, topT))
        c0 = jnp.min(m0)
        fmax = lambda m: jnp.max(jnp.where(m < _T, m, -1))
        c2 = jnp.maximum(jnp.maximum(fmax(m0), fmax(m1)), fmax(m2))
        fsum = lambda m: jnp.sum(jnp.where(m < _T, m, 0))
        c1 = (fsum(m0) + fsum(m1) + fsum(m2)) - c0 - c2
        col = jnp.where(s == 0, c0, jnp.where(s == 1, c1, c2))

        for k in range(_LP // 16):
            lv = jnp.minimum(i16 + 16 * k, _L - 1)
            idx_v[pl.ds(16 * k, 16)] = lv * (_B * _T) + c * _T + col
        gch = pltpu.async_copy(hs_ref.at[idx_v], seg_v, sem2)

        tch.wait()
        img = jnp.sum(jnp.where(i16 == c, meta_v[...], 0))
        gch.wait()
        gmch.wait()
        wch.wait()

        def lbody(l, carry):
            lg0, lg1, lg2 = carry
            acc = seg_v[l, pl.ds(0, 16)] * w_v[l, pl.ds(0, 16)]
            for k in range(1, _D // 16):
                acc = acc + seg_v[l, pl.ds(16 * k, 16)] * w_v[l, pl.ds(16 * k, 16)]
            tot = jnp.sum(acc)
            return (jnp.where(i16 == l, tot, lg0),
                    jnp.where(i16 + 16 == l, tot, lg1),
                    jnp.where(i16 + 32 == l, tot, lg2))

        ninf = jnp.full((16,), -jnp.inf, jnp.float32)
        lg0, lg1, lg2 = lax.fori_loop(0, _L, lbody, (ninf, ninf, ninf))

        v0 = lg0 + g_v[pl.ds(0, 16)]
        v1 = lg1 + g_v[pl.ds(16, 16)]
        v2 = lg2 + g_v[pl.ds(32, 16)]
        mx = jnp.maximum(jnp.maximum(jnp.max(v0), jnp.max(v1)), jnp.max(v2))
        big = jnp.int32(1 << 20)
        barg = jnp.minimum(
            jnp.minimum(jnp.min(jnp.where(v0 >= mx, i16, big)),
                        jnp.min(jnp.where(v1 >= mx, i16 + 16, big))),
            jnp.min(jnp.where(v2 >= mx, i16 + 32, big)))

        for k in range(_D // 16):
            out1_v[pl.ds(16 * k, 16)] = seg_v[barg, pl.ds(16 * k, 16)]
        pltpu.sync_copy(out1_v, out1_ref.at[pl.ds(n * _D, _D)])
        rb = barg * (_B * _T) + c * _T + img
        pub_v[...] = jnp.zeros((16,), jnp.int32) + rb
        pltpu.sync_copy(pub_v, shared.at[pl.ds(16 * s, 16)])

    plsc.subcore_barrier()

    @pl.when(s < _NS_C)
    def _spans():
        pltpu.sync_copy(shared, base_v)
        bufs = (stage_v, seg_v.at[pl.ds(0, _RPW)])
        idxb = (idx_v, idx2_v, idx3_v)
        gsem = (sem, sem2)
        wsem = (sem3, sem4)

        for t in range(3):
            rb = base_v[pl.ds(16 * t, 16)][0]
            for k in range(_RPW // 16):
                idxb[t][pl.ds(16 * k, 16)] = rb + s * _RPW + i16 + 16 * k

        def start_gather(t, b):
            return pltpu.async_copy(hs_ref.at[idxb[t]], bufs[b], gsem[b])

        def start_write(t, b):
            dst0 = (c * 3 + t) * _P + s * _RPW
            return pltpu.async_copy(
                bufs[b], out2_ref.at[pl.ds(dst0, _RPW)], wsem[b])

        g0 = start_gather(0, 0)
        g1 = start_gather(1, 1)
        g0.wait()
        w0 = start_write(0, 0)
        g1.wait()
        w1 = start_write(1, 1)
        w0.wait()
        start_gather(2, 0).wait()
        w2 = start_write(2, 0)
        w1.wait()
        w2.wait()


def kernel(hidden_states, W, input_ids, seg_token_mask, num_patches):
    del num_patches
    L, B, T, D = hidden_states.shape
    hs_flat = hidden_states.reshape(L * B * T, D)
    msk1 = seg_token_mask.astype(jnp.int32).reshape(B * T)
    it = jnp.arange(T, dtype=jnp.int32)[None, :]
    img_idx = jnp.min(
        jnp.where(input_ids == _IMAGE_TOKEN_INDEX, it, T), axis=1)
    meta = jnp.concatenate(
        [img_idx.astype(jnp.int32), jnp.zeros((16 - _B,), jnp.int32)])

    g = jax.random.gumbel(jax.random.key(1), (_N, _L), jnp.float32)
    g_pad = jnp.concatenate(
        [g, jnp.zeros((_N, _LP - _L), jnp.float32)], axis=1).reshape(_N * _LP)

    mesh = plsc.VectorSubcoreMesh(core_axis_name="c", subcore_axis_name="s")
    out1f, out2f = pl.kernel(
        _sc_body,
        out_type=(
            jax.ShapeDtypeStruct((_N * _D,), jnp.float32),
            jax.ShapeDtypeStruct((_N * _P, _D), jnp.float32),
        ),
        mesh=mesh,
        compiler_params=pltpu.CompilerParams(needs_layout_passes=False),
        scratch_types=[
            pltpu.VMEM((16,), jnp.int32),
            pltpu.VMEM((_T,), jnp.int32),
            pltpu.VMEM((_LP,), jnp.int32),
            pltpu.VMEM((_LP,), jnp.int32),
            pltpu.VMEM((_LP,), jnp.int32),
            pltpu.VMEM((_LP, _D), jnp.float32),
            pltpu.VMEM((_L, _D), jnp.float32),
            pltpu.VMEM((_LP,), jnp.float32),
            pltpu.VMEM((_D,), jnp.float32),
            pltpu.VMEM((16,), jnp.int32),
            pltpu.VMEM((_LP,), jnp.int32),
            pltpu.VMEM_SHARED((_LP,), jnp.int32),
            pltpu.VMEM((_RPW, _D), jnp.float32),
            pltpu.SemaphoreType.DMA,
            pltpu.SemaphoreType.DMA,
            pltpu.SemaphoreType.DMA,
            pltpu.SemaphoreType.DMA,
        ],
    )(hs_flat, W, meta, msk1, g_pad)

    out1 = out1f.reshape(_N, _D)
    out2 = out2f.reshape(_N, _P, _D)
    return (out1, out2, out1)

# --- scband reference (transcript-rebuilt; emitter-appended) ---
"""Pipeline reference for scband-policy-prompted-masking-27195732919028 (READ-ONLY COPY).

The authoritative reference and input builder live on the scoring server;
editing this copy changes nothing except your own understanding.
"""

import jax, jax.numpy as jnp
import numpy as np

IMAGE_TOKEN_INDEX = -200


def setup_inputs(seed: int = 0) -> dict:
    key = jax.random.key(seed)
    k1, k2 = jax.random.split(key)
    L, B, T, D = 33, 2, 2048, 768
    hidden_states = jax.random.normal(k1, (L, B, T, D), dtype=jnp.float32)
    input_ids = jax.random.randint(k2, (B, T), 0, 32000, dtype=jnp.int32)
    # place the (single) image token early so image_token_idx + num_patches stays in-range
    input_ids = input_ids.at[:, 10].set(IMAGE_TOKEN_INDEX)
    # sparse [SEG] token mask: 3 seg tokens per sample, all after the image patch span
    seg_token_mask = jnp.zeros((B, T), dtype=bool)
    seg_token_mask = seg_token_mask.at[:, jnp.array([700, 1200, 1900])].set(True)
    # learned parameter _layer_gate_W_similarity, initialized to ones as in the module
    W = jnp.ones((L, D), dtype=jnp.float32)
    return {
        "hidden_states": hidden_states,
        "W": W,
        "input_ids": input_ids,
        "seg_token_mask": seg_token_mask,
        "num_patches": 576,
    }


def _recurrent_unrolled(hidden_states, input_ids, seg_token_mask, num_patches):
    # torch.stack(list_of_L_[B,T,D], dim=1) == moveaxis of the [L,B,T,D] stack
    hs = jnp.moveaxis(hidden_states, 0, 1)  # [B, L, T, D]
    B, L, T, D = hs.shape
    image_token_mask = input_ids == IMAGE_TOKEN_INDEX
    vals = jnp.where(image_token_mask, 1.0, jnp.inf)
    image_token_idx = jnp.argmin(vals, axis=1)  # first image token per row
    P = 576
    idx_offset = jnp.minimum(jnp.arange(P), num_patches - 1)[None, :]
    gather_idx = image_token_idx[:, None] + idx_offset  # [B, P]
    gidx = jnp.broadcast_to(gather_idx[:, None, :, None], (B, L, P, D))
    image_token_embeds = jnp.take_along_axis(hs, gidx, axis=2)  # [B, L, P, D]
    seg_bool = seg_token_mask.astype(bool)
    rows, cols = jnp.nonzero(seg_bool, size=3 * B)
    batch_idx = rows  # [N_seg]
    seg_token_embeds = jnp.transpose(hs, (0, 2, 1, 3))[rows, cols]  # [N_seg, L, D]
    seg_image_token_embeds = image_token_embeds[batch_idx]  # [N_seg, L, P, D]
    return seg_token_embeds, seg_image_token_embeds


def reference(hidden_states, W, input_ids, seg_token_mask, num_patches):
    # strategy='policy_walker', mode=3, eval_legacy=False -> _policy_walker_mode3
    seg_tok, seg_img = _recurrent_unrolled(hidden_states, input_ids, seg_token_mask, num_patches)
    N = seg_tok.shape[0]
    logits = jnp.einsum('nld,ld->nl', jax.lax.stop_gradient(seg_tok), W)
    layer_probs = jax.nn.softmax(logits, axis=-1)
    _last_layer_probs_mean = layer_probs.mean(axis=0)  # stored stat (side info)
    actions = jax.random.categorical(jax.random.key(1), logits)  # Categorical(logits).sample()
    _log_probs = jnp.take_along_axis(jax.nn.log_softmax(logits, axis=-1), actions[:, None], axis=1)[:, 0]
    bi = jnp.arange(N)
    seg_token_embeds_for_similarity = seg_tok[bi, actions]          # [N, D]
    seg_image_token_embeds_for_similarity = seg_img[bi, actions]    # [N, P, D]
    seg_token_embeds_for_sam = seg_token_embeds_for_similarity
    return (seg_token_embeds_for_similarity, seg_image_token_embeds_for_similarity, seg_token_embeds_for_sam)

if __name__ == "__main__":
    import jax
    _d = setup_inputs()
    print(jax.jit(kernel)(*tuple(_d.values())))

</pallas_src>

<mosaic_0001>
#map = affine_map<(d0, d1) -> (0, 0)>
#map1 = affine_map<(d0, d1) -> (0)>
module attributes {stable_mosaic.version = 14 : i64} {
  func.func @_sc_body(%arg0: i32, %arg1: i32, %arg2: memref<135168x768xf32, #tpu.memory_space<hbm>>, %arg3: memref<33x768xf32, #tpu.memory_space<hbm>>, %arg4: memref<16xi32, #tpu.memory_space<hbm>>, %arg5: memref<4096xi32, #tpu.memory_space<hbm>>, %arg6: memref<288xf32, #tpu.memory_space<hbm>>, %arg7: memref<4608xf32, #tpu.memory_space<hbm>>, %arg8: memref<3456x768xf32, #tpu.memory_space<hbm>>, %arg9: memref<16xi32, #tpu.memory_space<vmem>>, %arg10: memref<2048xi32, #tpu.memory_space<vmem>>, %arg11: memref<48xi32, #tpu.memory_space<vmem>>, %arg12: memref<48xi32, #tpu.memory_space<vmem>>, %arg13: memref<48xi32, #tpu.memory_space<vmem>>, %arg14: memref<48x768xf32, #tpu.memory_space<vmem>>, %arg15: memref<33x768xf32, #tpu.memory_space<vmem>>, %arg16: memref<48xf32, #tpu.memory_space<vmem>>, %arg17: memref<768xf32, #tpu.memory_space<vmem>>, %arg18: memref<16xi32, #tpu.memory_space<vmem>>, %arg19: memref<48xi32, #tpu.memory_space<vmem>>, %arg20: memref<48xi32, #tpu.memory_space<vmem_shared>>, %arg21: memref<48x768xf32, #tpu.memory_space<vmem>>, %arg22: memref<!tpu.dma_semaphore, #tpu.memory_space<semaphore_mem>>, %arg23: memref<!tpu.dma_semaphore, #tpu.memory_space<semaphore_mem>>, %arg24: memref<!tpu.dma_semaphore, #tpu.memory_space<semaphore_mem>>, %arg25: memref<!tpu.dma_semaphore, #tpu.memory_space<semaphore_mem>>) attributes {dimension_semantics = [#tpu.dimension_semantics<core_parallel>, #tpu.dimension_semantics<subcore_parallel>], iteration_bounds = array<i64: 2, 16>, scalar_prefetch = 0 : i64, scratch_operands = 17 : i64, tpu.core_type = #tpu.core_type<sc_vector_subcore>, window_params = [{transform_indices = #map}, {transform_indices = #map}, {transform_indices = #map1}, {transform_indices = #map1}, {transform_indices = #map1}, {transform_indices = #map1}, {transform_indices = #map}]} {
    %iota3A = tpu.iota {dimensions = array<i32: 0>} : vector<16xi32>
    %lt3A = arith.constant 3 : i32
    %lt3A_0 = arith.cmpi slt, %arg1, %lt3A : i32
    %convert_element_type3A = arith.extui %lt3A_0 : i1 to i32
    %cond3A = arith.constant 0 : i32
    %cond3A_1 = arith.cmpi ne, %convert_element_type3A, %cond3A : i32
    scf.if %cond3A_1 {
      %mul3A = arith.constant 3 : i32
      %mul3A_7 = arith.muli %arg0, %mul3A : i32
      %add3A = arith.addi %mul3A_7, %arg1 : i32
      tpu.enqueue_dma source(%arg4 : memref<16xi32, #tpu.memory_space<hbm>>) target(%arg9 : memref<16xi32, #tpu.memory_space<vmem>>) target_semaphore(%arg22 : memref<!tpu.dma_semaphore, #tpu.memory_space<semaphore_mem>>)
      %mul3A_8 = arith.constant 2048 : i32
      %mul3A_9 = arith.muli %arg0, %mul3A_8 : i32
      %dma_start3A = tpu.memref_slice %arg5[%mul3A_9] : memref<4096xi32, #tpu.memory_space<hbm>> -> memref<2048xi32, #tpu.memory_space<hbm>>
      %dma_start3A_10 = tpu.memref_slice %arg5[%mul3A_9] : memref<4096xi32, #tpu.memory_space<hbm>> -> memref<2048xi32, #tpu.memory_space<hbm>>
      tpu.enqueue_dma source(%dma_start3A_10 : memref<2048xi32, #tpu.memory_space<hbm>>) target(%arg10 : memref<2048xi32, #tpu.memory_space<vmem>>) target_semaphore(%arg23 : memref<!tpu.dma_semaphore, #tpu.memory_space<semaphore_mem>>)
      %mul3A_11 = arith.constant 48 : i32
      %mul3A_12 = arith.muli %add3A, %mul3A_11 : i32
      %dma_start3A_13 = tpu.memref_slice %arg6[%mul3A_12] : memref<288xf32, #tpu.memory_space<hbm>> -> memref<48xf32, #tpu.memory_space<hbm>>
      %dma_start3A_14 = tpu.memref_slice %arg6[%mul3A_12] : memref<288xf32, #tpu.memory_space<hbm>> -> memref<48xf32, #tpu.memory_space<hbm>>
      tpu.enqueue_dma source(%dma_start3A_14 : memref<48xf32, #tpu.memory_space<hbm>>) target(%arg16 : memref<48xf32, #tpu.memory_space<vmem>>) target_semaphore(%arg24 : memref<!tpu.dma_semaphore, #tpu.memory_space<semaphore_mem>>)
      tpu.enqueue_dma source(%arg3 : memref<33x768xf32, #tpu.memory_space<hbm>>) target(%arg15 : memref<33x768xf32, #tpu.memory_space<vmem>>) target_semaphore(%arg25 : memref<!tpu.dma_semaphore, #tpu.memory_space<semaphore_mem>>)
      %dma_wait3A = tpu.memref_slice %arg5[%mul3A_9] : memref<4096xi32, #tpu.memory_space<hbm>> -> memref<2048xi32, #tpu.memory_space<hbm>>
      %dma_wait3A_15 = tpu.memref_slice %arg5[%mul3A_9] : memref<4096xi32, #tpu.memory_space<hbm>> -> memref<2048xi32, #tpu.memory_space<hbm>>
      tpu.wait_dma2 semaphore(%arg23 : memref<!tpu.dma_semaphore, #tpu.memory_space<semaphore_mem>>) src(%dma_wait3A_15 : memref<2048xi32, #tpu.memory_space<hbm>>) dst(%arg10 : memref<2048xi32, #tpu.memory_space<vmem>>)
      %broadcast_in_dim3A = arith.constant 2048 : i32
      %broadcast_in_dim3A_16 = vector.broadcast %broadcast_in_dim3A : i32 to vector<16xi32>
      %scan3A = arith.constant 0 : i32
      %scan3A_17 = arith.constant 128 : i32
      %scan3A_18 = arith.addi %scan3A, %scan3A_17 : i32
      %scan3A_19 = arith.constant 1 : i32
      %scan3A_20:3 = scf.for %scan3A_506 = %scan3A to %scan3A_18 step %scan3A_19 iter_args(%scan3A_507 = %broadcast_in_dim3A_16, %scan3A_508 = %broadcast_in_dim3A_16, %scan3A_509 = %broadcast_in_dim3A_16) -> (vector<16xi32>, vector<16xi32>, vector<16xi32>)  : i32 {
        %mul3A_510 = arith.constant 16 : i32
        %mul3A_511 = arith.muli %mul3A_510, %scan3A_506 : i32
        %get3A_512 = arith.index_cast %mul3A_511 : i32 to index
        %get3A_513 = tpu.vector_load %arg10[%get3A_512] {strides = array<i32>} : memref<2048xi32, #tpu.memory_space<vmem>>, vector<16xi32>,
        %ne3A = arith.constant 0 : i32
        %ne3A_514 = vector.broadcast %ne3A : i32 to vector<16xi32>
        %ne3A_515 = arith.cmpi ne, %get3A_513, %ne3A_514 : vector<16xi32>
        %mul3A_516 = arith.constant 16 : i32
        %mul3A_517 = arith.muli %mul3A_516, %scan3A_506 : i32
        %add3A_518 = vector.broadcast %mul3A_517 : i32 to vector<16xi32>
        %add3A_519 = arith.addi %iota3A, %add3A_518 : vector<16xi32>
        %jit3A_520 = arith.constant 2048 : i32
        %broadcast_in_dim3A_521 = vector.broadcast %jit3A_520 : i32 to vector<16xi32>
        %select_n3A_522 = arith.select %ne3A_515, %add3A_519, %broadcast_in_dim3A_521 : vector<16xi1>, vector<16xi32>
        %min3A_523 = arith.minsi %scan3A_507, %select_n3A_522 : vector<16xi32>
        %max3A_524 = arith.maxsi %scan3A_507, %select_n3A_522 : vector<16xi32>
        %min3A_525 = arith.minsi %scan3A_508, %max3A_524 : vector<16xi32>
        %max3A_526 = arith.maxsi %scan3A_508, %max3A_524 : vector<16xi32>
        %min3A_527 = arith.minsi %scan3A_509, %max3A_526 : vector<16xi32>
        scf.yield %min3A_523, %min3A_525, %min3A_527 : vector<16xi32>, vector<16xi32>, vector<16xi32>
      }
      %scan3A_21 = arith.constant 128 : i32
      %reduce_min3A = arith.constant true
      %reduce_min3A_22 = vector.broadcast %reduce_min3A : i1 to vector<16xi1>
      %reduce_min3A_23 = arith.constant -2147483648 : i32
      %reduce_min3A_24 = vector.broadcast %reduce_min3A_23 : i32 to vector<16xi32>
      %reduce_min3A_25 = arith.xori %scan3A_20#0, %reduce_min3A_24 : vector<16xi32>
      %reduce_min3A_26 = tpu.scan <min>, %reduce_min3A_25 masked %reduce_min3A_22 : vector<16xi32>, vector<16xi1> -> vector<16xi32>
      %reduce_min3A_27 = arith.xori %reduce_min3A_26, %reduce_min3A_24 : vector<16xi32>
      %reduce_min3A_28 = vector.extract %reduce_min3A_27[15] : i32 from vector<16xi32>
      %lt3A_29 = arith.constant 2048 : i32
      %lt3A_30 = vector.broadcast %lt3A_29 : i32 to vector<16xi32>
      %lt3A_31 = arith.cmpi slt, %scan3A_20#0, %lt3A_30 : vector<16xi32>
      %jit3A = arith.constant -1 : i32
      %broadcast_in_dim3A_32 = vector.broadcast %jit3A : i32 to vector<16xi32>
      %select_n3A = arith.select %lt3A_31, %scan3A_20#0, %broadcast_in_dim3A_32 : vector<16xi1>, vector<16xi32>
      %reduce_max3A = arith.constant true
      %reduce_max3A_33 = vector.broadcast %reduce_max3A : i1 to vector<16xi1>
      %reduce_max3A_34 = arith.constant -2147483648 : i32
      %reduce_max3A_35 = vector.broadcast %reduce_max3A_34 : i32 to vector<16xi32>
      %reduce_max3A_36 = arith.xori %select_n3A, %reduce_max3A_35 : vector<16xi32>
      %reduce_max3A_37 = tpu.scan <max>, %reduce_max3A_36 masked %reduce_max3A_33 : vector<16xi32>, vector<16xi1> -> vector<16xi32>
      %reduce_max3A_38 = arith.xori %reduce_max3A_37, %reduce_max3A_35 : vector<16xi32>
      %reduce_max3A_39 = vector.extract %reduce_max3A_38[15] : i32 from vector<16xi32>
      %lt3A_40 = arith.constant 2048 : i32
      %lt3A_41 = vector.broadcast %lt3A_40 : i32 to vector<16xi32>
      %lt3A_42 = arith.cmpi slt, %scan3A_20#1, %lt3A_41 : vector<16xi32>
      %jit3A_43 = arith.constant -1 : i32
      %broadcast_in_dim3A_44 = vector.broadcast %jit3A_43 : i32 to vector<16xi32>
      %select_n3A_45 = arith.select %lt3A_42, %scan3A_20#1, %broadcast_in_dim3A_44 : vector<16xi1>, vector<16xi32>
      %reduce_max3A_46 = arith.constant true
      %reduce_max3A_47 = vector.broadcast %reduce_max3A_46 : i1 to vector<16xi1>
      %reduce_max3A_48 = arith.constant -2147483648 : i32
      %reduce_max3A_49 = vector.broadcast %reduce_max3A_48 : i32 to vector<16xi32>
      %reduce_max3A_50 = arith.xori %select_n3A_45, %reduce_max3A_49 : vector<16xi32>
      %reduce_max3A_51 = tpu.scan <max>, %reduce_max3A_50 masked %reduce_max3A_47 : vector<16xi32>, vector<16xi1> -> vector<16xi32>
      %reduce_max3A_52 = arith.xori %reduce_max3A_51, %reduce_max3A_49 : vector<16xi32>
      %reduce_max3A_53 = vector.extract %reduce_max3A_52[15] : i32 from vector<16xi32>
      %max3A = arith.maxsi %reduce_max3A_39, %reduce_max3A_53 : i32
      %lt3A_54 = arith.constant 2048 : i32
      %lt3A_55 = vector.broadcast %lt3A_54 : i32 to vector<16xi32>
      %lt3A_56 = arith.cmpi slt, %scan3A_20#2, %lt3A_55 : vector<16xi32>
      %jit3A_57 = arith.constant -1 : i32
      %broadcast_in_dim3A_58 = vector.broadcast %jit3A_57 : i32 to vector<16xi32>
      %select_n3A_59 = arith.select %lt3A_56, %scan3A_20#2, %broadcast_in_dim3A_58 : vector<16xi1>, vector<16xi32>
      %reduce_max3A_60 = arith.constant true
      %reduce_max3A_61 = vector.broadcast %reduce_max3A_60 : i1 to vector<16xi1>
      %reduce_max3A_62 = arith.constant -2147483648 : i32
      %reduce_max3A_63 = vector.broadcast %reduce_max3A_62 : i32 to vector<16xi32>
      %reduce_max3A_64 = arith.xori %select_n3A_59, %reduce_max3A_63 : vector<16xi32>
      %reduce_max3A_65 = tpu.scan <max>, %reduce_max3A_64 masked %reduce_max3A_61 : vector<16xi32>, vector<16xi1> -> vector<16xi32>
      %reduce_max3A_66 = arith.xori %reduce_max3A_65, %reduce_max3A_63 : vector<16xi32>
      %reduce_max3A_67 = vector.extract %reduce_max3A_66[15] : i32 from vector<16xi32>
      %max3A_68 = arith.maxsi %max3A, %reduce_max3A_67 : i32
      %lt3A_69 = arith.constant 2048 : i32
      %lt3A_70 = vector.broadcast %lt3A_69 : i32 to vector<16xi32>
      %lt3A_71 = arith.cmpi slt, %scan3A_20#0, %lt3A_70 : vector<16xi32>
      %jit3A_72 = arith.constant 0 : i32
      %broadcast_in_dim3A_73 = vector.broadcast %jit3A_72 : i32 to vector<16xi32>
      %select_n3A_74 = arith.select %lt3A_71, %scan3A_20#0, %broadcast_in_dim3A_73 : vector<16xi1>, vector<16xi32>
      %reduce_sum3A = arith.constant true
      %reduce_sum3A_75 = vector.broadcast %reduce_sum3A : i1 to vector<16xi1>
      %reduce_sum3A_76 = tpu.scan <sum>, %select_n3A_74 masked %reduce_sum3A_75 : vector<16xi32>, vector<16xi1> -> vector<16xi32>
      %reduce_sum3A_77 = vector.extract %reduce_sum3A_76[15] : i32 from vector<16xi32>
      %lt3A_78 = arith.constant 2048 : i32
      %lt3A_79 = vector.broadcast %lt3A_78 : i32 to vector<16xi32>
      %lt3A_80 = arith.cmpi slt, %scan3A_20#1, %lt3A_79 : vector<16xi32>
      %jit3A_81 = arith.constant 0 : i32
      %broadcast_in_dim3A_82 = vector.broadcast %jit3A_81 : i32 to vector<16xi32>
      %select_n3A_83 = arith.select %lt3A_80, %scan3A_20#1, %broadcast_in_dim3A_82 : vector<16xi1>, vector<16xi32>
      %reduce_sum3A_84 = arith.constant true
      %reduce_sum3A_85 = vector.broadcast %reduce_sum3A_84 : i1 to vector<16xi1>
      %reduce_sum3A_86 = tpu.scan <sum>, %select_n3A_83 masked %reduce_sum3A_85 : vector<16xi32>, vector<16xi1> -> vector<16xi32>
      %reduce_sum3A_87 = vector.extract %reduce_sum3A_86[15] : i32 from vector<16xi32>
      %add3A_88 = arith.addi %reduce_sum3A_77, %reduce_sum3A_87 : i32
      %lt3A_89 = arith.constant 2048 : i32
      %lt3A_90 = vector.broadcast %lt3A_89 : i32 to vector<16xi32>
      %lt3A_91 = arith.cmpi slt, %scan3A_20#2, %lt3A_90 : vector<16xi32>
      %jit3A_92 = arith.constant 0 : i32
      %broadcast_in_dim3A_93 = vector.broadcast %jit3A_92 : i32 to vector<16xi32>
      %select_n3A_94 = arith.select %lt3A_91, %scan3A_20#2, %broadcast_in_dim3A_93 : vector<16xi1>, vector<16xi32>
      %reduce_sum3A_95 = arith.constant true
      %reduce_sum3A_96 = vector.broadcast %reduce_sum3A_95 : i1 to vector<16xi1>
      %reduce_sum3A_97 = tpu.scan <sum>, %select_n3A_94 masked %reduce_sum3A_96 : vector<16xi32>, vector<16xi1> -> vector<16xi32>
      %reduce_sum3A_98 = vector.extract %reduce_sum3A_97[15] : i32 from vector<16xi32>
      %add3A_99 = arith.addi %add3A_88, %reduce_sum3A_98 : i32
      %sub3A = arith.subi %add3A_99, %reduce_min3A_28 : i32
      %sub3A_100 = arith.subi %sub3A, %max3A_68 : i32
      %eq3A = arith.constant 0 : i32
      %eq3A_101 = arith.cmpi eq, %arg1, %eq3A : i32
      %eq3A_102 = arith.constant 1 : i32
      %eq3A_103 = arith.cmpi eq, %arg1, %eq3A_102 : i32
      %select_n3A_104 = arith.select %eq3A_103, %sub3A_100, %max3A_68 : i32
      %select_n3A_105 = arith.select %eq3A_101, %reduce_min3A_28, %select_n3A_104 : i32
      %add3A_106 = arith.constant 0 : i32
      %add3A_107 = vector.broadcast %add3A_106 : i32 to vector<16xi32>
      %add3A_108 = arith.addi %iota3A, %add3A_107 : vector<16xi32>
      %min3A = arith.constant 32 : i32
      %min3A_109 = vector.broadcast %min3A : i32 to vector<16xi32>
      %min3A_110 = arith.minsi %add3A_108, %min3A_109 : vector<16xi32>
      %mul3A_111 = arith.constant 4096 : i32
      %mul3A_112 = vector.broadcast %mul3A_111 : i32 to vector<16xi32>
      %mul3A_113 = arith.muli %min3A_110, %mul3A_112 : vector<16xi32>
      %mul3A_114 = arith.constant 2048 : i32
      %mul3A_115 = arith.muli %arg0, %mul3A_114 : i32
      %add3A_116 = vector.broadcast %mul3A_115 : i32 to vector<16xi32>
      %add3A_117 = arith.addi %mul3A_113, %add3A_116 : vector<16xi32>
      %add3A_118 = vector.broadcast %select_n3A_105 : i32 to vector<16xi32>
      %add3A_119 = arith.addi %add3A_117, %add3A_118 : vector<16xi32>
      %swap3A = arith.constant 0 : index
      %swap3A_120 = tpu.vector_load %arg11[%swap3A] {strides = array<i32>} : memref<48xi32, #tpu.memory_space<vmem>>, vector<16xi32>,
      tpu.vector_store %arg11[%swap3A], %add3A_119 {strides = array<i32>} : memref<48xi32, #tpu.memory_space<vmem>>, vector<16xi32>,
      %add3A_121 = arith.constant 16 : i32
      %add3A_122 = vector.broadcast %add3A_121 : i32 to vector<16xi32>
      %add3A_123 = arith.addi %iota3A, %add3A_122 : vector<16xi32>
      %min3A_124 = arith.constant 32 : i32
      %min3A_125 = vector.broadcast %min3A_124 : i32 to vector<16xi32>
      %min3A_126 = arith.minsi %add3A_123, %min3A_125 : vector<16xi32>
      %mul3A_127 = arith.constant 4096 : i32
      %mul3A_128 = vector.broadcast %mul3A_127 : i32 to vector<16xi32>
      %mul3A_129 = arith.muli %min3A_126, %mul3A_128 : vector<16xi32>
      %mul3A_130 = arith.constant 2048 : i32
      %mul3A_131 = arith.muli %arg0, %mul3A_130 : i32
      %add3A_132 = vector.broadcast %mul3A_131 : i32 to vector<16xi32>
      %add3A_133 = arith.addi %mul3A_129, %add3A_132 : vector<16xi32>
      %add3A_134 = vector.broadcast %select_n3A_105 : i32 to vector<16xi32>
      %add3A_135 = arith.addi %add3A_133, %add3A_134 : vector<16xi32>
      %swap3A_136 = arith.constant 16 : index
      %swap3A_137 = tpu.vector_load %arg11[%swap3A_136] {strides = array<i32>} : memref<48xi32, #tpu.memory_space<vmem>>, vector<16xi32>,
      tpu.vector_store %arg11[%swap3A_136], %add3A_135 {strides = array<i32>} : memref<48xi32, #tpu.memory_space<vmem>>, vector<16xi32>,
      %add3A_138 = arith.constant 32 : i32
      %add3A_139 = vector.broadcast %add3A_138 : i32 to vector<16xi32>
      %add3A_140 = arith.addi %iota3A, %add3A_139 : vector<16xi32>
      %min3A_141 = arith.constant 32 : i32
      %min3A_142 = vector.broadcast %min3A_141 : i32 to vector<16xi32>
      %min3A_143 = arith.minsi %add3A_140, %min3A_142 : vector<16xi32>
      %mul3A_144 = arith.constant 4096 : i32
      %mul3A_145 = vector.broadcast %mul3A_144 : i32 to vector<16xi32>
      %mul3A_146 = arith.muli %min3A_143, %mul3A_145 : vector<16xi32>
      %mul3A_147 = arith.constant 2048 : i32
      %mul3A_148 = arith.muli %arg0, %mul3A_147 : i32
      %add3A_149 = vector.broadcast %mul3A_148 : i32 to vector<16xi32>
      %add3A_150 = arith.addi %mul3A_146, %add3A_149 : vector<16xi32>
      %add3A_151 = vector.broadcast %select_n3A_105 : i32 to vector<16xi32>
      %add3A_152 = arith.addi %add3A_150, %add3A_151 : vector<16xi32>
      %swap3A_153 = arith.constant 32 : index
      %swap3A_154 = tpu.vector_load %arg11[%swap3A_153] {strides = array<i32>} : memref<48xi32, #tpu.memory_space<vmem>>, vector<16xi32>,
      tpu.vector_store %arg11[%swap3A_153], %add3A_152 {strides = array<i32>} : memref<48xi32, #tpu.memory_space<vmem>>, vector<16xi32>,
      %dma_start3A_155 = arith.constant 0 : i32
      %dma_start3A_156 = arith.constant 0 : i32
      %dma_start3A_157 = tpu.memref_slice %arg2[%dma_start3A_155, %dma_start3A_156] : memref<135168x768xf32, #tpu.memory_space<hbm>> -> memref<135168x768xf32, #tpu.memory_space<hbm>>
      tpu.enqueue_indirect_dma source(%dma_start3A_157 : memref<135168x768xf32, #tpu.memory_space<hbm>>) target(%arg14 : memref<48x768xf32, #tpu.memory_space<vmem>>) offsets(%arg11 : memref<48xi32, #tpu.memory_space<vmem>>) semaphore(%arg23 : memref<!tpu.dma_semaphore, #tpu.memory_space<semaphore_mem>>)
      tpu.wait_dma2 semaphore(%arg22 : memref<!tpu.dma_semaphore, #tpu.memory_space<semaphore_mem>>) src(%arg4 : memref<16xi32, #tpu.memory_space<hbm>>) dst(%arg9 : memref<16xi32, #tpu.memory_space<vmem>>)
      %eq3A_158 = vector.broadcast %arg0 : i32 to vector<16xi32>
      %eq3A_159 = arith.cmpi eq, %iota3A, %eq3A_158 : vector<16xi32>
      %get3A = arith.constant 0 : index
      %get3A_160 = tpu.vector_load %arg9[%get3A] {strides = array<i32>} : memref<16xi32, #tpu.memory_space<vmem>>, vector<16xi32>,
      %jit3A_161 = arith.constant 0 : i32
      %broadcast_in_dim3A_162 = vector.broadcast %jit3A_161 : i32 to vector<16xi32>
      %select_n3A_163 = arith.select %eq3A_159, %get3A_160, %broadcast_in_dim3A_162 : vector<16xi1>, vector<16xi32>
      %reduce_sum3A_164 = arith.constant true
      %reduce_sum3A_165 = vector.broadcast %reduce_sum3A_164 : i1 to vector<16xi1>
      %reduce_sum3A_166 = tpu.scan <sum>, %select_n3A_163 masked %reduce_sum3A_165 : vector<16xi32>, vector<16xi1> -> vector<16xi32>
      %reduce_sum3A_167 = vector.extract %reduce_sum3A_166[15] : i32 from vector<16xi32>
      %dma_wait3A_168 = arith.constant 0 : i32
      %dma_wait3A_169 = arith.constant 0 : i32
      %dma_wait3A_170 = tpu.memref_slice %arg2[%dma_wait3A_168, %dma_wait3A_169] : memref<135168x768xf32, #tpu.memory_space<hbm>> -> memref<135168x768xf32, #tpu.memory_space<hbm>>
      tpu.wait_indirect_dma semaphore(%arg23 : memref<!tpu.dma_semaphore, #tpu.memory_space<semaphore_mem>>) src(%dma_wait3A_170 : memref<135168x768xf32, #tpu.memory_space<hbm>>) dst(%arg14 : memref<48x768xf32, #tpu.memory_space<vmem>>)
      %dma_wait3A_171 = tpu.memref_slice %arg6[%mul3A_12] : memref<288xf32, #tpu.memory_space<hbm>> -> memref<48xf32, #tpu.memory_space<hbm>>
      %dma_wait3A_172 = tpu.memref_slice %arg6[%mul3A_12] : memref<288xf32, #tpu.memory_space<hbm>> -> memref<48xf32, #tpu.memory_space<hbm>>
      tpu.wait_dma2 semaphore(%arg24 : memref<!tpu.dma_semaphore, #tpu.memory_space<semaphore_mem>>) src(%dma_wait3A_172 : memref<48xf32, #tpu.memory_space<hbm>>) dst(%arg16 : memref<48xf32, #tpu.memory_space<vmem>>)
      tpu.wait_dma2 semaphore(%arg25 : memref<!tpu.dma_semaphore, #tpu.memory_space<semaphore_mem>>) src(%arg3 : memref<33x768xf32, #tpu.memory_space<hbm>>) dst(%arg15 : memref<33x768xf32, #tpu.memory_space<vmem>>)
      %broadcast_in_dim3A_173 = arith.constant 0xFF800000 : f32
      %broadcast_in_dim3A_174 = vector.broadcast %broadcast_in_dim3A_173 : f32 to vector<16xf32>
      %scan3A_175 = arith.constant 0 : i32
      %scan3A_176 = arith.constant 33 : i32
      %scan3A_177 = arith.addi %scan3A_175, %scan3A_176 : i32
      %scan3A_178 = arith.constant 1 : i32
      %scan3A_179:3 = scf.for %scan3A_506 = %scan3A_175 to %scan3A_177 step %scan3A_178 iter_args(%scan3A_507 = %broadcast_in_dim3A_174, %scan3A_508 = %broadcast_in_dim3A_174, %scan3A_509 = %broadcast_in_dim3A_174) -> (vector<16xf32>, vector<16xf32>, vector<16xf32>)  : i32 {
        %get3A_510 = arith.index_cast %scan3A_506 : i32 to index
        %get3A_511 = arith.constant 0 : index
        %get3A_512 = tpu.vector_load %arg14[%get3A_510, %get3A_511] {strides = array<i32>} : memref<48x768xf32, #tpu.memory_space<vmem>>, vector<16xf32>,
        %get3A_513 = arith.index_cast %scan3A_506 : i32 to index
        %get3A_514 = arith.constant 0 : index
        %get3A_515 = tpu.vector_load %arg15[%get3A_513, %get3A_514] {strides = array<i32>} : memref<33x768xf32, #tpu.memory_space<vmem>>, vector<16xf32>,
        %mul3A_516 = arith.mulf %get3A_512, %get3A_515 : vector<16xf32>
        %get3A_517 = arith.index_cast %scan3A_506 : i32 to index
        %get3A_518 = arith.constant 16 : index
        %get3A_519 = tpu.vector_load %arg14[%get3A_517, %get3A_518] {strides = array<i32>} : memref<48x768xf32, #tpu.memory_space<vmem>>, vector<16xf32>,
        %get3A_520 = arith.index_cast %scan3A_506 : i32 to index
        %get3A_521 = arith.constant 16 : index
        %get3A_522 = tpu.vector_load %arg15[%get3A_520, %get3A_521] {strides = array<i32>} : memref<33x768xf32, #tpu.memory_space<vmem>>, vector<16xf32>,
        %mul3A_523 = arith.mulf %get3A_519, %get3A_522 : vector<16xf32>
        %add3A_524 = arith.addf %mul3A_516, %mul3A_523 : vector<16xf32>
        %get3A_525 = arith.index_cast %scan3A_506 : i32 to index
        %get3A_526 = arith.constant 32 : index
        %get3A_527 = tpu.vector_load %arg14[%get3A_525, %get3A_526] {strides = array<i32>} : memref<48x768xf32, #tpu.memory_space<vmem>>, vector<16xf32>,
        %get3A_528 = arith.index_cast %scan3A_506 : i32 to index
        %get3A_529 = arith.constant 32 : index
        %get3A_530 = tpu.vector_load %arg15[%get3A_528, %get3A_529] {strides = array<i32>} : memref<33x768xf32, #tpu.memory_space<vmem>>, vector<16xf32>,
        %mul3A_531 = arith.mulf %get3A_527, %get3A_530 : vector<16xf32>
        %add3A_532 = arith.addf %add3A_524, %mul3A_531 : vector<16xf32>
        %get3A_533 = arith.index_cast %scan3A_506 : i32 to index
        %get3A_534 = arith.constant 48 : index
        %get3A_535 = tpu.vector_load %arg14[%get3A_533, %get3A_534] {strides = array<i32>} : memref<48x768xf32, #tpu.memory_space<vmem>>, vector<16xf32>,
        %get3A_536 = arith.index_cast %scan3A_506 : i32 to index
        %get3A_537 = arith.constant 48 : index
        %get3A_538 = tpu.vector_load %arg15[%get3A_536, %get3A_537] {strides = array<i32>} : memref<33x768xf32, #tpu.memory_space<vmem>>, vector<16xf32>,
        %mul3A_539 = arith.mulf %get3A_535, %get3A_538 : vector<16xf32>
        %add3A_540 = arith.addf %add3A_532, %mul3A_539 : vector<16xf32>
        %get3A_541 = arith.index_cast %scan3A_506 : i32 to index
        %get3A_542 = arith.constant 64 : index
        %get3A_543 = tpu.vector_load %arg14[%get3A_541, %get3A_542] {strides = array<i32>} : memref<48x768xf32, #tpu.memory_space<vmem>>, vector<16xf32>,
        %get3A_544 = arith.index_cast %scan3A_506 : i32 to index
        %get3A_545 = arith.constant 64 : index
        %get3A_546 = tpu.vector_load %arg15[%get3A_544, %get3A_545] {strides = array<i32>} : memref<33x768xf32, #tpu.memory_space<vmem>>, vector<16xf32>,
        %mul3A_547 = arith.mulf %get3A_543, %get3A_546 : vector<16xf32>
        %add3A_548 = arith.addf %add3A_540, %mul3A_547 : vector<16xf32>
        %get3A_549 = arith.index_cast %scan3A_506 : i32 to index
        %get3A_550 = arith.constant 80 : index
        %get3A_551 = tpu.vector_load %arg14[%get3A_549, %get3A_550] {strides = array<i32>} : memref<48x768xf32, #tpu.memory_space<vmem>>, vector<16xf32>,
        %get3A_552 = arith.index_cast %scan3A_506 : i32 to index
        %get3A_553 = arith.constant 80 : index
        %get3A_554 = tpu.vector_load %arg15[%get3A_552, %get3A_553] {strides = array<i32>} : memref<33x768xf32, #tpu.memory_space<vmem>>, vector<16xf32>,
        %mul3A_555 = arith.mulf %get3A_551, %get3A_554 : vector<16xf32>
        %add3A_556 = arith.addf %add3A_548, %mul3A_555 : vector<16xf32>
        %get3A_557 = arith.index_cast %scan3A_506 : i32 to index
        %get3A_558 = arith.constant 96 : index
        %get3A_559 = tpu.vector_load %arg14[%get3A_557, %get3A_558] {strides = array<i32>} : memref<48x768xf32, #tpu.memory_space<vmem>>, vector<16xf32>,
        %get3A_560 = arith.index_cast %scan3A_506 : i32 to index
        %get3A_561 = arith.constant 96 : index
        %get3A_562 = tpu.vector_load %arg15[%get3A_560, %get3A_561] {strides = array<i32>} : memref<33x768xf32, #tpu.memory_space<vmem>>, vector<16xf32>,
        %mul3A_563 = arith.mulf %get3A_559, %get3A_562 : vector<16xf32>
        %add3A_564 = arith.addf %add3A_556, %mul3A_563 : vector<16xf32>
        %get3A_565 = arith.index_cast %scan3A_506 : i32 to index
        %get3A_566 = arith.constant 112 : index
        %get3A_567 = tpu.vector_load %arg14[%get3A_565, %get3A_566] {strides = array<i32>} : memref<48x768xf32, #tpu.memory_space<vmem>>, vector<16xf32>,
        %get3A_568 = arith.index_cast %scan3A_506 : i32 to index
        %get3A_569 = arith.constant 112 : index
        %get3A_570 = tpu.vector_load %arg15[%get3A_568, %get3A_569] {strides = array<i32>} : memref<33x768xf32, #tpu.memory_space<vmem>>, vector<16xf32>,
        %mul3A_571 = arith.mulf %get3A_567, %get3A_570 : vector<16xf32>
        %add3A_572 = arith.addf %add3A_564, %mul3A_571 : vector<16xf32>
        %get3A_573 = arith.index_cast %scan3A_506 : i32 to index
        %get3A_574 = arith.constant 128 : index
        %get3A_575 = tpu.vector_load %arg14[%get3A_573, %get3A_574] {strides = array<i32>} : memref<48x768xf32, #tpu.memory_space<vmem>>, vector<16xf32>,
        %get3A_576 = arith.index_cast %scan3A_506 : i32 to index
        %get3A_577 = arith.constant 128 : index
        %get3A_578 = tpu.vector_load %arg15[%get3A_576, %get3A_577] {strides = array<i32>} : memref<33x768xf32, #tpu.memory_space<vmem>>, vector<16xf32>,
        %mul3A_579 = arith.mulf %get3A_575, %get3A_578 : vector<16xf32>
        %add3A_580 = arith.addf %add3A_572, %mul3A_579 : vector<16xf32>
        %get3A_581 = arith.index_cast %scan3A_506 : i32 to index
        %get3A_582 = arith.constant 144 : index
        %get3A_583 = tpu.vector_load %arg14[%get3A_581, %get3A_582] {strides = array<i32>} : memref<48x768xf32, #tpu.memory_space<vmem>>, vector<16xf32>,
        %get3A_584 = arith.index_cast %scan3A_506 : i32 to index
        %get3A_585 = arith.constant 144 : index
        %get3A_586 = tpu.vector_load %arg15[%get3A_584, %get3A_585] {strides = array<i32>} : memref<33x768xf32, #tpu.memory_space<vmem>>, vector<16xf32>,
        %mul3A_587 = arith.mulf %get3A_583, %get3A_586 : vector<16xf32>
        %add3A_588 = arith.addf %add3A_580, %mul3A_587 : vector<16xf32>
        %get3A_589 = arith.index_cast %scan3A_506 : i32 to index
        %get3A_590 = arith.constant 160 : index
        %get3A_591 = tpu.vector_load %arg14[%get3A_589, %get3A_590] {strides = array<i32>} : memref<48x768xf32, #tpu.memory_space<vmem>>, vector<16xf32>,
        %get3A_592 = arith.index_cast %scan3A_506 : i32 to index
        %get3A_593 = arith.constant 160 : index
        %get3A_594 = tpu.vector_load %arg15[%get3A_592, %get3A_593] {strides = array<i32>} : memref<33x768xf32, #tpu.memory_space<vmem>>, vector<16xf32>,
        %mul3A_595 = arith.mulf %get3A_591, %get3A_594 : vector<16xf32>
        %add3A_596 = arith.addf %add3A_588, %mul3A_595 : vector<16xf32>
        %get3A_597 = arith.index_cast %scan3A_506 : i32 to index
        %get3A_598 = arith.constant 176 : index
        %get3A_599 = tpu.vector_load %arg14[%get3A_597, %get3A_598] {strides = array<i32>} : memref<48x768xf32, #tpu.memory_space<vmem>>, vector<16xf32>,
        %get3A_600 = arith.index_cast %scan3A_506 : i32 to index
        %get3A_601 = arith.constant 176 : index
        %get3A_602 = tpu.vector_load %arg15[%get3A_600, %get3A_601] {strides = array<i32>} : memref<33x768xf32, #tpu.memory_space<vmem>>, vector<16xf32>,
        %mul3A_603 = arith.mulf %get3A_599, %get3A_602 : vector<16xf32>
        %add3A_604 = arith.addf %add3A_596, %mul3A_603 : vector<16xf32>
        %get3A_605 = arith.index_cast %scan3A_506 : i32 to index
        %get3A_606 = arith.constant 192 : index
        %get3A_607 = tpu.vector_load %arg14[%get3A_605, %get3A_606] {strides = array<i32>} : memref<48x768xf32, #tpu.memory_space<vmem>>, vector<16xf32>,
        %get3A_608 = arith.index_cast %scan3A_506 : i32 to index
        %get3A_609 = arith.constant 192 : index
        %get3A_610 = tpu.vector_load %arg15[%get3A_608, %get3A_609] {strides = array<i32>} : memref<33x768xf32, #tpu.memory_space<vmem>>, vector<16xf32>,
        %mul3A_611 = arith.mulf %get3A_607, %get3A_610 : vector<16xf32>
        %add3A_612 = arith.addf %add3A_604, %mul3A_611 : vector<16xf32>
        %get3A_613 = arith.index_cast %scan3A_506 : i32 to index
        %get3A_614 = arith.constant 208 : index
        %get3A_615 = tpu.vector_load %arg14[%get3A_613, %get3A_614] {strides = array<i32>} : memref<48x768xf32, #tpu.memory_space<vmem>>, vector<16xf32>,
        %get3A_616 = arith.index_cast %scan3A_506 : i32 to index
        %get3A_617 = arith.constant 208 : index
        %get3A_618 = tpu.vector_load %arg15[%get3A_616, %get3A_617] {strides = array<i32>} : memref<33x768xf32, #tpu.memory_space<vmem>>, vector<16xf32>,
        %mul3A_619 = arith.mulf %get3A_615, %get3A_618 : vector<16xf32>
        %add3A_620 = arith.addf %add3A_612, %mul3A_619 : vector<16xf32>
        %get3A_621 = arith.index_cast %scan3A_506 : i32 to index
        %get3A_622 = arith.constant 224 : index
        %get3A_623 = tpu.vector_load %arg14[%get3A_621, %get3A_622] {strides = array<i32>} : memref<48x768xf32, #tpu.memory_space<vmem>>, vector<16xf32>,
        %get3A_624 = arith.index_cast %scan3A_506 : i32 to index
        %get3A_625 = arith.constant 224 : index
        %get3A_626 = tpu.vector_load %arg15[%get3A_624, %get3A_625] {strides = array<i32>} : memref<33x768xf32, #tpu.memory_space<vmem>>, vector<16xf32>,
        %mul3A_627 = arith.mulf %get3A_623, %get3A_626 : vector<16xf32>
        %add3A_628 = arith.addf %add3A_620, %mul3A_627 : vector<16xf32>
        %get3A_629 = arith.index_cast %scan3A_506 : i32 to index
        %get3A_630 = arith.constant 240 : index
        %get3A_631 = tpu.vector_load %arg14[%get3A_629, %get3A_630] {strides = array<i32>} : memref<48x768xf32, #tpu.memory_space<vmem>>, vector<16xf32>,
        %get3A_632 = arith.index_cast %scan3A_506 : i32 to index
        %get3A_633 = arith.constant 240 : index
        %get3A_634 = tpu.vector_load %arg15[%get3A_632, %get3A_633] {strides = array<i32>} : memref<33x768xf32, #tpu.memory_space<vmem>>, vector<16xf32>,
        %mul3A_635 = arith.mulf %get3A_631, %get3A_634 : vector<16xf32>
        %add3A_636 = arith.addf %add3A_628, %mul3A_635 : vector<16xf32>
        %get3A_637 = arith.index_cast %scan3A_506 : i32 to index
        %get3A_638 = arith.constant 256 : index
        %get3A_639 = tpu.vector_load %arg14[%get3A_637, %get3A_638] {strides = array<i32>} : memref<48x768xf32, #tpu.memory_space<vmem>>, vector<16xf32>,
        %get3A_640 = arith.index_cast %scan3A_506 : i32 to index
        %get3A_641 = arith.constant 256 : index
        %get3A_642 = tpu.vector_load %arg15[%get3A_640, %get3A_641] {strides = array<i32>} : memref<33x768xf32, #tpu.memory_space<vmem>>, vector<16xf32>,
        %mul3A_643 = arith.mulf %get3A_639, %get3A_642 : vector<16xf32>
        %add3A_644 = arith.addf %add3A_636, %mul3A_643 : vector<16xf32>
        %get3A_645 = arith.index_cast %scan3A_506 : i32 to index
        %get3A_646 = arith.constant 272 : index
        %get3A_647 = tpu.vector_load %arg14[%get3A_645, %get3A_646] {strides = array<i32>} : memref<48x768xf32, #tpu.memory_space<vmem>>, vector<16xf32>,
        %get3A_648 = arith.index_cast %scan3A_506 : i32 to index
        %get3A_649 = arith.constant 272 : index
        %get3A_650 = tpu.vector_load %arg15[%get3A_648, %get3A_649] {strides = array<i32>} : memref<33x768xf32, #tpu.memory_space<vmem>>, vector<16xf32>,
        %mul3A_651 = arith.mulf %get3A_647, %get3A_650 : vector<16xf32>
        %add3A_652 = arith.addf %add3A_644, %mul3A_651 : vector<16xf32>
        %get3A_653 = arith.index_cast %scan3A_506 : i32 to index
        %get3A_654 = arith.constant 288 : index
        %get3A_655 = tpu.vector_load %arg14[%get3A_653, %get3A_654] {strides = array<i32>} : memref<48x768xf32, #tpu.memory_space<vmem>>, vector<16xf32>,
        %get3A_656 = arith.index_cast %scan3A_506 : i32 to index
        %get3A_657 = arith.constant 288 : index
        %get3A_658 = tpu.vector_load %arg15[%get3A_656, %get3A_657] {strides = array<i32>} : memref<33x768xf32, #tpu.memory_space<vmem>>, vector<16xf32>,
        %mul3A_659 = arith.mulf %get3A_655, %get3A_658 : vector<16xf32>
        %add3A_660 = arith.addf %add3A_652, %mul3A_659 : vector<16xf32>
        %get3A_661 = arith.index_cast %scan3A_506 : i32 to index
        %get3A_662 = arith.constant 304 : index
        %get3A_663 = tpu.vector_load %arg14[%get3A_661, %get3A_662] {strides = array<i32>} : memref<48x768xf32, #tpu.memory_space<vmem>>, vector<16xf32>,
        %get3A_664 = arith.index_cast %scan3A_506 : i32 to index
        %get3A_665 = arith.constant 304 : index
        %get3A_666 = tpu.vector_load %arg15[%get3A_664, %get3A_665] {strides = array<i32>} : memref<33x768xf32, #tpu.memory_space<vmem>>, vector<16xf32>,
        %mul3A_667 = arith.mulf %get3A_663, %get3A_666 : vector<16xf32>
        %add3A_668 = arith.addf %add3A_660, %mul3A_667 : vector<16xf32>
        %get3A_669 = arith.index_cast %scan3A_506 : i32 to index
        %get3A_670 = arith.constant 320 : index
        %get3A_671 = tpu.vector_load %arg14[%get3A_669, %get3A_670] {strides = array<i32>} : memref<48x768xf32, #tpu.memory_space<vmem>>, vector<16xf32>,
        %get3A_672 = arith.index_cast %scan3A_506 : i32 to index
        %get3A_673 = arith.constant 320 : index
        %get3A_674 = tpu.vector_load %arg15[%get3A_672, %get3A_673] {strides = array<i32>} : memref<33x768xf32, #tpu.memory_space<vmem>>, vector<16xf32>,
        %mul3A_675 = arith.mulf %get3A_671, %get3A_674 : vector<16xf32>
        %add3A_676 = arith.addf %add3A_668, %mul3A_675 : vector<16xf32>
        %get3A_677 = arith.index_cast %scan3A_506 : i32 to index
        %get3A_678 = arith.constant 336 : index
        %get3A_679 = tpu.vector_load %arg14[%get3A_677, %get3A_678] {strides = array<i32>} : memref<48x768xf32, #tpu.memory_space<vmem>>, vector<16xf32>,
        %get3A_680 = arith.index_cast %scan3A_506 : i32 to index
        %get3A_681 = arith.constant 336 : index
        %get3A_682 = tpu.vector_load %arg15[%get3A_680, %get3A_681] {strides = array<i32>} : memref<33x768xf32, #tpu.memory_space<vmem>>, vector<16xf32>,
        %mul3A_683 = arith.mulf %get3A_679, %get3A_682 : vector<16xf32>
        %add3A_684 = arith.addf %add3A_676, %mul3A_683 : vector<16xf32>
        %get3A_685 = arith.index_cast %scan3A_506 : i32 to index
        %get3A_686 = arith.constant 352 : index
        %get3A_687 = tpu.vector_load %arg14[%get3A_685, %get3A_686] {strides = array<i32>} : memref<48x768xf32, #tpu.memory_space<vmem>>, vector<16xf32>,
        %get3A_688 = arith.index_cast %scan3A_506 : i32 to index
        %get3A_689 = arith.constant 352 : index
        %get3A_690 = tpu.vector_load %arg15[%get3A_688, %get3A_689] {strides = array<i32>} : memref<33x768xf32, #tpu.memory_space<vmem>>, vector<16xf32>,
        %mul3A_691 = arith.mulf %get3A_687, %get3A_690 : vector<16xf32>
        %add3A_692 = arith.addf %add3A_684, %mul3A_691 : vector<16xf32>
        %get3A_693 = arith.index_cast %scan3A_506 : i32 to index
        %get3A_694 = arith.constant 368 : index
        %get3A_695 = tpu.vector_load %arg14[%get3A_693, %get3A_694] {strides = array<i32>} : memref<48x768xf32, #tpu.memory_space<vmem>>, vector<16xf32>,
        %get3A_696 = arith.index_cast %scan3A_506 : i32 to index
        %get3A_697 = arith.constant 368 : index
        %get3A_698 = tpu.vector_load %arg15[%get3A_696, %get3A_697] {strides = array<i32>} : memref<33x768xf32, #tpu.memory_space<vmem>>, vector<16xf32>,
        %mul3A_699 = arith.mulf %get3A_695, %get3A_698 : vector<16xf32>
        %add3A_700 = arith.addf %add3A_692, %mul3A_699 : vector<16xf32>
        %get3A_701 = arith.index_cast %scan3A_506 : i32 to index
        %get3A_702 = arith.constant 384 : index
        %get3A_703 = tpu.vector_load %arg14[%get3A_701, %get3A_702] {strides = array<i32>} : memref<48x768xf32, #tpu.memory_space<vmem>>, vector<16xf32>,
        %get3A_704 = arith.index_cast %scan3A_506 : i32 to index
        %get3A_705 = arith.constant 384 : index
        %get3A_706 = tpu.vector_load %arg15[%get3A_704, %get3A_705] {strides = array<i32>} : memref<33x768xf32, #tpu.memory_space<vmem>>, vector<16xf32>,
        %mul3A_707 = arith.mulf %get3A_703, %get3A_706 : vector<16xf32>
        %add3A_708 = arith.addf %add3A_700, %mul3A_707 : vector<16xf32>
        %get3A_709 = arith.index_cast %scan3A_506 : i32 to index
        %get3A_710 = arith.constant 400 : index
        %get3A_711 = tpu.vector_load %arg14[%get3A_709, %get3A_710] {strides = array<i32>} : memref<48x768xf32, #tpu.memory_space<vmem>>, vector<16xf32>,
        %get3A_712 = arith.index_cast %scan3A_506 : i32 to index
        %get3A_713 = arith.constant 400 : index
        %get3A_714 = tpu.vector_load %arg15[%get3A_712, %get3A_713] {strides = array<i32>} : memref<33x768xf32, #tpu.memory_space<vmem>>, vector<16xf32>,
        %mul3A_715 = arith.mulf %get3A_711, %get3A_714 : vector<16xf32>
        %add3A_716 = arith.addf %add3A_708, %mul3A_715 : vector<16xf32>
        %get3A_717 = arith.index_cast %scan3A_506 : i32 to index
        %get3A_718 = arith.constant 416 : index
        %get3A_719 = tpu.vector_load %arg14[%get3A_717, %get3A_718] {strides = array<i32>} : memref<48x768xf32, #tpu.memory_space<vmem>>, vector<16xf32>,
        %get3A_720 = arith.index_cast %scan3A_506 : i32 to index
        %get3A_721 = arith.constant 416 : index
        %get3A_722 = tpu.vector_load %arg15[%get3A_720, %get3A_721] {strides = array<i32>} : memref<33x768xf32, #tpu.memory_space<vmem>>, vector<16xf32>,
        %mul3A_723 = arith.mulf %get3A_719, %get3A_722 : vector<16xf32>
        %add3A_724 = arith.addf %add3A_716, %mul3A_723 : vector<16xf32>
        %get3A_725 = arith.index_cast %scan3A_506 : i32 to index
        %get3A_726 = arith.constant 432 : index
        %get3A_727 = tpu.vector_load %arg14[%get3A_725, %get3A_726] {strides = array<i32>} : memref<48x768xf32, #tpu.memory_space<vmem>>, vector<16xf32>,
        %get3A_728 = arith.index_cast %scan3A_506 : i32 to index
        %get3A_729 = arith.constant 432 : index
        %get3A_730 = tpu.vector_load %arg15[%get3A_728, %get3A_729] {strides = array<i32>} : memref<33x768xf32, #tpu.memory_space<vmem>>, vector<16xf32>,
        %mul3A_731 = arith.mulf %get3A_727, %get3A_730 : vector<16xf32>
        %add3A_732 = arith.addf %add3A_724, %mul3A_731 : vector<16xf32>
        %get3A_733 = arith.index_cast %scan3A_506 : i32 to index
        %get3A_734 = arith.constant 448 : index
        %get3A_735 = tpu.vector_load %arg14[%get3A_733, %get3A_734] {strides = array<i32>} : memref<48x768xf32, #tpu.memory_space<vmem>>, vector<16xf32>,
        %get3A_736 = arith.index_cast %scan3A_506 : i32 to index
        %get3A_737 = arith.constant 448 : index
        %get3A_738 = tpu.vector_load %arg15[%get3A_736, %get3A_737] {strides = array<i32>} : memref<33x768xf32, #tpu.memory_space<vmem>>, vector<16xf32>,
        %mul3A_739 = arith.mulf %get3A_735, %get3A_738 : vector<16xf32>
        %add3A_740 = arith.addf %add3A_732, %mul3A_739 : vector<16xf32>
        %get3A_741 = arith.index_cast %scan3A_506 : i32 to index
        %get3A_742 = arith.constant 464 : index
        %get3A_743 = tpu.vector_load %arg14[%get3A_741, %get3A_742] {strides = array<i32>} : memref<48x768xf32, #tpu.memory_space<vmem>>, vector<16xf32>,
        %get3A_744 = arith.index_cast %scan3A_506 : i32 to index
        %get3A_745 = arith.constant 464 : index
        %get3A_746 = tpu.vector_load %arg15[%get3A_744, %get3A_745] {strides = array<i32>} : memref<33x768xf32, #tpu.memory_space<vmem>>, vector<16xf32>,
        %mul3A_747 = arith.mulf %get3A_743, %get3A_746 : vector<16xf32>
        %add3A_748 = arith.addf %add3A_740, %mul3A_747 : vector<16xf32>
        %get3A_749 = arith.index_cast %scan3A_506 : i32 to index
        %get3A_750 = arith.constant 480 : index
        %get3A_751 = tpu.vector_load %arg14[%get3A_749, %get3A_750] {strides = array<i32>} : memref<48x768xf32, #tpu.memory_space<vmem>>, vector<16xf32>,
        %get3A_752 = arith.index_cast %scan3A_506 : i32 to index
        %get3A_753 = arith.constant 480 : index
        %get3A_754 = tpu.vector_load %arg15[%get3A_752, %get3A_753] {strides = array<i32>} : memref<33x768xf32, #tpu.memory_space<vmem>>, vector<16xf32>,
        %mul3A_755 = arith.mulf %get3A_751, %get3A_754 : vector<16xf32>
        %add3A_756 = arith.addf %add3A_748, %mul3A_755 : vector<16xf32>
        %get3A_757 = arith.index_cast %scan3A_506 : i32 to index
        %get3A_758 = arith.constant 496 : index
        %get3A_759 = tpu.vector_load %arg14[%get3A_757, %get3A_758] {strides = array<i32>} : memref<48x768xf32, #tpu.memory_space<vmem>>, vector<16xf32>,
        %get3A_760 = arith.index_cast %scan3A_506 : i32 to index
        %get3A_761 = arith.constant 496 : index
        %get3A_762 = tpu.vector_load %arg15[%get3A_760, %get3A_761] {strides = array<i32>} : memref<33x768xf32, #tpu.memory_space<vmem>>, vector<16xf32>,
        %mul3A_763 = arith.mulf %get3A_759, %get3A_762 : vector<16xf32>
        %add3A_764 = arith.addf %add3A_756, %mul3A_763 : vector<16xf32>
        %get3A_765 = arith.index_cast %scan3A_506 : i32 to index
        %get3A_766 = arith.constant 512 : index
        %get3A_767 = tpu.vector_load %arg14[%get3A_765, %get3A_766] {strides = array<i32>} : memref<48x768xf32, #tpu.memory_space<vmem>>, vector<16xf32>,
        %get3A_768 = arith.index_cast %scan3A_506 : i32 to index
        %get3A_769 = arith.constant 512 : index
        %get3A_770 = tpu.vector_load %arg15[%get3A_768, %get3A_769] {strides = array<i32>} : memref<33x768xf32, #tpu.memory_space<vmem>>, vector<16xf32>,
        %mul3A_771 = arith.mulf %get3A_767, %get3A_770 : vector<16xf32>
        %add3A_772 = arith.addf %add3A_764, %mul3A_771 : vector<16xf32>
        %get3A_773 = arith.index_cast %scan3A_506 : i32 to index
        %get3A_774 = arith.constant 528 : index
        %get3A_775 = tpu.vector_load %arg14[%get3A_773, %get3A_774] {strides = array<i32>} : memref<48x768xf32, #tpu.memory_space<vmem>>, vector<16xf32>,
        %get3A_776 = arith.index_cast %scan3A_506 : i32 to index
        %get3A_777 = arith.constant 528 : index
        %get3A_778 = tpu.vector_load %arg15[%get3A_776, %get3A_777] {strides = array<i32>} : memref<33x768xf32, #tpu.memory_space<vmem>>, vector<16xf32>,
        %mul3A_779 = arith.mulf %get3A_775, %get3A_778 : vector<16xf32>
        %add3A_780 = arith.addf %add3A_772, %mul3A_779 : vector<16xf32>
        %get3A_781 = arith.index_cast %scan3A_506 : i32 to index
        %get3A_782 = arith.constant 544 : index
        %get3A_783 = tpu.vector_load %arg14[%get3A_781, %get3A_782] {strides = array<i32>} : memref<48x768xf32, #tpu.memory_space<vmem>>, vector<16xf32>,
        %get3A_784 = arith.index_cast %scan3A_506 : i32 to index
        %get3A_785 = arith.constant 544 : index
        %get3A_786 = tpu.vector_load %arg15[%get3A_784, %get3A_785] {strides = array<i32>} : memref<33x768xf32, #tpu.memory_space<vmem>>, vector<16xf32>,
        %mul3A_787 = arith.mulf %get3A_783, %get3A_786 : vector<16xf32>
        %add3A_788 = arith.addf %add3A_780, %mul3A_787 : vector<16xf32>
        %get3A_789 = arith.index_cast %scan3A_506 : i32 to index
        %get3A_790 = arith.constant 560 : index
        %get3A_791 = tpu.vector_load %arg14[%get3A_789, %get3A_790] {strides = array<i32>} : memref<48x768xf32, #tpu.memory_space<vmem>>, vector<16xf32>,
        %get3A_792 = arith.index_cast %scan3A_506 : i32 to index
        %get3A_793 = arith.constant 560 : index
        %get3A_794 = tpu.vector_load %arg15[%get3A_792, %get3A_793] {strides = array<i32>} : memref<33x768xf32, #tpu.memory_space<vmem>>, vector<16xf32>,
        %mul3A_795 = arith.mulf %get3A_791, %get3A_794 : vector<16xf32>
        %add3A_796 = arith.addf %add3A_788, %mul3A_795 : vector<16xf32>
        %get3A_797 = arith.index_cast %scan3A_506 : i32 to index
        %get3A_798 = arith.constant 576 : index
        %get3A_799 = tpu.vector_load %arg14[%get3A_797, %get3A_798] {strides = array<i32>} : memref<48x768xf32, #tpu.memory_space<vmem>>, vector<16xf32>,
        %get3A_800 = arith.index_cast %scan3A_506 : i32 to index
        %get3A_801 = arith.constant 576 : index
        %get3A_802 = tpu.vector_load %arg15[%get3A_800, %get3A_801] {strides = array<i32>} : memref<33x768xf32, #tpu.memory_space<vmem>>, vector<16xf32>,
        %mul3A_803 = arith.mulf %get3A_799, %get3A_802 : vector<16xf32>
        %add3A_804 = arith.addf %add3A_796, %mul3A_803 : vector<16xf32>
        %get3A_805 = arith.index_cast %scan3A_506 : i32 to index
        %get3A_806 = arith.constant 592 : index
        %get3A_807 = tpu.vector_load %arg14[%get3A_805, %get3A_806] {strides = array<i32>} : memref<48x768xf32, #tpu.memory_space<vmem>>, vector<16xf32>,
        %get3A_808 = arith.index_cast %scan3A_506 : i32 to index
        %get3A_809 = arith.constant 592 : index
        %get3A_810 = tpu.vector_load %arg15[%get3A_808, %get3A_809] {strides = array<i32>} : memref<33x768xf32, #tpu.memory_space<vmem>>, vector<16xf32>,
        %mul3A_811 = arith.mulf %get3A_807, %get3A_810 : vector<16xf32>
        %add3A_812 = arith.addf %add3A_804, %mul3A_811 : vector<16xf32>
        %get3A_813 = arith.index_cast %scan3A_506 : i32 to index
        %get3A_814 = arith.constant 608 : index
        %get3A_815 = tpu.vector_load %arg14[%get3A_813, %get3A_814] {strides = array<i32>} : memref<48x768xf32, #tpu.memory_space<vmem>>, vector<16xf32>,
        %get3A_816 = arith.index_cast %scan3A_506 : i32 to index
        %get3A_817 = arith.constant 608 : index
        %get3A_818 = tpu.vector_load %arg15[%get3A_816, %get3A_817] {strides = array<i32>} : memref<33x768xf32, #tpu.memory_space<vmem>>, vector<16xf32>,
        %mul3A_819 = arith.mulf %get3A_815, %get3A_818 : vector<16xf32>
        %add3A_820 = arith.addf %add3A_812, %mul3A_819 : vector<16xf32>
        %get3A_821 = arith.index_cast %scan3A_506 : i32 to index
        %get3A_822 = arith.constant 624 : index
        %get3A_823 = tpu.vector_load %arg14[%get3A_821, %get3A_822] {strides = array<i32>} : memref<48x768xf32, #tpu.memory_space<vmem>>, vector<16xf32>,
        %get3A_824 = arith.index_cast %scan3A_506 : i32 to index
        %get3A_825 = arith.constant 624 : index
        %get3A_826 = tpu.vector_load %arg15[%get3A_824, %get3A_825] {strides = array<i32>} : memref<33x768xf32, #tpu.memory_space<vmem>>, vector<16xf32>,
        %mul3A_827 = arith.mulf %get3A_823, %get3A_826 : vector<16xf32>
        %add3A_828 = arith.addf %add3A_820, %mul3A_827 : vector<16xf32>
        %get3A_829 = arith.index_cast %scan3A_506 : i32 to index
        %get3A_830 = arith.constant 640 : index
        %get3A_831 = tpu.vector_load %arg14[%get3A_829, %get3A_830] {strides = array<i32>} : memref<48x768xf32, #tpu.memory_space<vmem>>, vector<16xf32>,
        %get3A_832 = arith.index_cast %scan3A_506 : i32 to index
        %get3A_833 = arith.constant 640 : index
        %get3A_834 = tpu.vector_load %arg15[%get3A_832, %get3A_833] {strides = array<i32>} : memref<33x768xf32, #tpu.memory_space<vmem>>, vector<16xf32>,
        %mul3A_835 = arith.mulf %get3A_831, %get3A_834 : vector<16xf32>
        %add3A_836 = arith.addf %add3A_828, %mul3A_835 : vector<16xf32>
        %get3A_837 = arith.index_cast %scan3A_506 : i32 to index
        %get3A_838 = arith.constant 656 : index
        %get3A_839 = tpu.vector_load %arg14[%get3A_837, %get3A_838] {strides = array<i32>} : memref<48x768xf32, #tpu.memory_space<vmem>>, vector<16xf32>,
        %get3A_840 = arith.index_cast %scan3A_506 : i32 to index
        %get3A_841 = arith.constant 656 : index
        %get3A_842 = tpu.vector_load %arg15[%get3A_840, %get3A_841] {strides = array<i32>} : memref<33x768xf32, #tpu.memory_space<vmem>>, vector<16xf32>,
        %mul3A_843 = arith.mulf %get3A_839, %get3A_842 : vector<16xf32>
        %add3A_844 = arith.addf %add3A_836, %mul3A_843 : vector<16xf32>
        %get3A_845 = arith.index_cast %scan3A_506 : i32 to index
        %get3A_846 = arith.constant 672 : index
        %get3A_847 = tpu.vector_load %arg14[%get3A_845, %get3A_846] {strides = array<i32>} : memref<48x768xf32, #tpu.memory_space<vmem>>, vector<16xf32>,
        %get3A_848 = arith.index_cast %scan3A_506 : i32 to index
        %get3A_849 = arith.constant 672 : index
        %get3A_850 = tpu.vector_load %arg15[%get3A_848, %get3A_849] {strides = array<i32>} : memref<33x768xf32, #tpu.memory_space<vmem>>, vector<16xf32>,
        %mul3A_851 = arith.mulf %get3A_847, %get3A_850 : vector<16xf32>
        %add3A_852 = arith.addf %add3A_844, %mul3A_851 : vector<16xf32>
        %get3A_853 = arith.index_cast %scan3A_506 : i32 to index
        %get3A_854 = arith.constant 688 : index
        %get3A_855 = tpu.vector_load %arg14[%get3A_853, %get3A_854] {strides = array<i32>} : memref<48x768xf32, #tpu.memory_space<vmem>>, vector<16xf32>,
        %get3A_856 = arith.index_cast %scan3A_506 : i32 to index
        %get3A_857 = arith.constant 688 : index
        %get3A_858 = tpu.vector_load %arg15[%get3A_856, %get3A_857] {strides = array<i32>} : memref<33x768xf32, #tpu.memory_space<vmem>>, vector<16xf32>,
        %mul3A_859 = arith.mulf %get3A_855, %get3A_858 : vector<16xf32>
        %add3A_860 = arith.addf %add3A_852, %mul3A_859 : vector<16xf32>
        %get3A_861 = arith.index_cast %scan3A_506 : i32 to index
        %get3A_862 = arith.constant 704 : index
        %get3A_863 = tpu.vector_load %arg14[%get3A_861, %get3A_862] {strides = array<i32>} : memref<48x768xf32, #tpu.memory_space<vmem>>, vector<16xf32>,
        %get3A_864 = arith.index_cast %scan3A_506 : i32 to index
        %get3A_865 = arith.constant 704 : index
        %get3A_866 = tpu.vector_load %arg15[%get3A_864, %get3A_865] {strides = array<i32>} : memref<33x768xf32, #tpu.memory_space<vmem>>, vector<16xf32>,
        %mul3A_867 = arith.mulf %get3A_863, %get3A_866 : vector<16xf32>
        %add3A_868 = arith.addf %add3A_860, %mul3A_867 : vector<16xf32>
        %get3A_869 = arith.index_cast %scan3A_506 : i32 to index
        %get3A_870 = arith.constant 720 : index
        %get3A_871 = tpu.vector_load %arg14[%get3A_869, %get3A_870] {strides = array<i32>} : memref<48x768xf32, #tpu.memory_space<vmem>>, vector<16xf32>,
        %get3A_872 = arith.index_cast %scan3A_506 : i32 to index
        %get3A_873 = arith.constant 720 : index
        %get3A_874 = tpu.vector_load %arg15[%get3A_872, %get3A_873] {strides = array<i32>} : memref<33x768xf32, #tpu.memory_space<vmem>>, vector<16xf32>,
        %mul3A_875 = arith.mulf %get3A_871, %get3A_874 : vector<16xf32>
        %add3A_876 = arith.addf %add3A_868, %mul3A_875 : vector<16xf32>
        %get3A_877 = arith.index_cast %scan3A_506 : i32 to index
        %get3A_878 = arith.constant 736 : index
        %get3A_879 = tpu.vector_load %arg14[%get3A_877, %get3A_878] {strides = array<i32>} : memref<48x768xf32, #tpu.memory_space<vmem>>, vector<16xf32>,
        %get3A_880 = arith.index_cast %scan3A_506 : i32 to index
        %get3A_881 = arith.constant 736 : index
        %get3A_882 = tpu.vector_load %arg15[%get3A_880, %get3A_881] {strides = array<i32>} : memref<33x768xf32, #tpu.memory_space<vmem>>, vector<16xf32>,
        %mul3A_883 = arith.mulf %get3A_879, %get3A_882 : vector<16xf32>
        %add3A_884 = arith.addf %add3A_876, %mul3A_883 : vector<16xf32>
        %get3A_885 = arith.index_cast %scan3A_506 : i32 to index
        %get3A_886 = arith.constant 752 : index
        %get3A_887 = tpu.vector_load %arg14[%get3A_885, %get3A_886] {strides = array<i32>} : memref<48x768xf32, #tpu.memory_space<vmem>>, vector<16xf32>,
        %get3A_888 = arith.index_cast %scan3A_506 : i32 to index
        %get3A_889 = arith.constant 752 : index
        %get3A_890 = tpu.vector_load %arg15[%get3A_888, %get3A_889] {strides = array<i32>} : memref<33x768xf32, #tpu.memory_space<vmem>>, vector<16xf32>,
        %mul3A_891 = arith.mulf %get3A_887, %get3A_890 : vector<16xf32>
        %add3A_892 = arith.addf %add3A_884, %mul3A_891 : vector<16xf32>
        %reduce_sum3A_893 = arith.constant true
        %reduce_sum3A_894 = vector.broadcast %reduce_sum3A_893 : i1 to vector<16xi1>
        %reduce_sum3A_895 = tpu.scan <sum>, %add3A_892 masked %reduce_sum3A_894 : vector<16xf32>, vector<16xi1> -> vector<16xf32>
        %reduce_sum3A_896 = vector.extract %reduce_sum3A_895[15] : f32 from vector<16xf32>
        %eq3A_897 = vector.broadcast %scan3A_506 : i32 to vector<16xi32>
        %eq3A_898 = arith.cmpi eq, %iota3A, %eq3A_897 : vector<16xi32>
        %broadcast_in_dim3A_899 = vector.broadcast %reduce_sum3A_896 : f32 to vector<16xf32>
        %select_n3A_900 = arith.select %eq3A_898, %broadcast_in_dim3A_899, %scan3A_507 : vector<16xi1>, vector<16xf32>
        %add3A_901 = arith.constant 16 : i32
        %add3A_902 = vector.broadcast %add3A_901 : i32 to vector<16xi32>
        %add3A_903 = arith.addi %iota3A, %add3A_902 : vector<16xi32>
        %eq3A_904 = vector.broadcast %scan3A_506 : i32 to vector<16xi32>
        %eq3A_905 = arith.cmpi eq, %add3A_903, %eq3A_904 : vector<16xi32>
        %broadcast_in_dim3A_906 = vector.broadcast %reduce_sum3A_896 : f32 to vector<16xf32>
        %select_n3A_907 = arith.select %eq3A_905, %broadcast_in_dim3A_906, %scan3A_508 : vector<16xi1>, vector<16xf32>
        %add3A_908 = arith.constant 32 : i32
        %add3A_909 = vector.broadcast %add3A_908 : i32 to vector<16xi32>
        %add3A_910 = arith.addi %iota3A, %add3A_909 : vector<16xi32>
        %eq3A_911 = vector.broadcast %scan3A_506 : i32 to vector<16xi32>
        %eq3A_912 = arith.cmpi eq, %add3A_910, %eq3A_911 : vector<16xi32>
        %broadcast_in_dim3A_913 = vector.broadcast %reduce_sum3A_896 : f32 to vector<16xf32>
        %select_n3A_914 = arith.select %eq3A_912, %broadcast_in_dim3A_913, %scan3A_509 : vector<16xi1>, vector<16xf32>
        scf.yield %select_n3A_900, %select_n3A_907, %select_n3A_914 : vector<16xf32>, vector<16xf32>, vector<16xf32>
      }
      %scan3A_180 = arith.constant 33 : i32
      %get3A_181 = arith.constant 0 : index
      %get3A_182 = tpu.vector_load %arg16[%get3A_181] {strides = array<i32>} : memref<48xf32, #tpu.memory_space<vmem>>, vector<16xf32>,
      %add3A_183 = arith.addf %scan3A_179#0, %get3A_182 : vector<16xf32>
      %get3A_184 = arith.constant 16 : index
      %get3A_185 = tpu.vector_load %arg16[%get3A_184] {strides = array<i32>} : memref<48xf32, #tpu.memory_space<vmem>>, vector<16xf32>,
      %add3A_186 = arith.addf %scan3A_179#1, %get3A_185 : vector<16xf32>
      %get3A_187 = arith.constant 32 : index
      %get3A_188 = tpu.vector_load %arg16[%get3A_187] {strides = array<i32>} : memref<48xf32, #tpu.memory_space<vmem>>, vector<16xf32>,
      %add3A_189 = arith.addf %scan3A_179#2, %get3A_188 : vector<16xf32>
      %reduce_max3A_190 = arith.constant true
      %reduce_max3A_191 = vector.broadcast %reduce_max3A_190 : i1 to vector<16xi1>
      %reduce_max3A_192 = tpu.scan <max>, %add3A_183 masked %reduce_max3A_191 : vector<16xf32>, vector<16xi1> -> vector<16xf32>
      %reduce_max3A_193 = vector.extract %reduce_max3A_192[15] : f32 from vector<16xf32>
      %reduce_max3A_194 = arith.constant true
      %reduce_max3A_195 = vector.broadcast %reduce_max3A_194 : i1 to vector<16xi1>
      %reduce_max3A_196 = tpu.scan <max>, %add3A_186 masked %reduce_max3A_195 : vector<16xf32>, vector<16xi1> -> vector<16xf32>
      %reduce_max3A_197 = vector.extract %reduce_max3A_196[15] : f32 from vector<16xf32>
      %max3A_198 = arith.maximumf %reduce_max3A_193, %reduce_max3A_197 : f32
      %reduce_max3A_199 = arith.constant true
      %reduce_max3A_200 = vector.broadcast %reduce_max3A_199 : i1 to vector<16xi1>
      %reduce_max3A_201 = tpu.scan <max>, %add3A_189 masked %reduce_max3A_200 : vector<16xf32>, vector<16xi1> -> vector<16xf32>
      %reduce_max3A_202 = vector.extract %reduce_max3A_201[15] : f32 from vector<16xf32>
      %max3A_203 = arith.maximumf %max3A_198, %reduce_max3A_202 : f32
      %ge3A = vector.broadcast %max3A_203 : f32 to vector<16xf32>
      %ge3A_204 = arith.cmpf oge, %add3A_183, %ge3A : vector<16xf32>
      %jit3A_205 = arith.constant 1048576 : i32
      %broadcast_in_dim3A_206 = vector.broadcast %jit3A_205 : i32 to vector<16xi32>
      %select_n3A_207 = arith.select %ge3A_204, %iota3A, %broadcast_in_dim3A_206 : vector<16xi1>, vector<16xi32>
      %reduce_min3A_208 = arith.constant true
      %reduce_min3A_209 = vector.broadcast %reduce_min3A_208 : i1 to vector<16xi1>
      %reduce_min3A_210 = arith.constant -2147483648 : i32
      %reduce_min3A_211 = vector.broadcast %reduce_min3A_210 : i32 to vector<16xi32>
      %reduce_min3A_212 = arith.xori %select_n3A_207, %reduce_min3A_211 : vector<16xi32>
      %reduce_min3A_213 = tpu.scan <min>, %reduce_min3A_212 masked %reduce_min3A_209 : vector<16xi32>, vector<16xi1> -> vector<16xi32>
      %reduce_min3A_214 = arith.xori %reduce_min3A_213, %reduce_min3A_211 : vector<16xi32>
      %reduce_min3A_215 = vector.extract %reduce_min3A_214[15] : i32 from vector<16xi32>
      %ge3A_216 = vector.broadcast %max3A_203 : f32 to vector<16xf32>
      %ge3A_217 = arith.cmpf oge, %add3A_186, %ge3A_216 : vector<16xf32>
      %add3A_218 = arith.constant 16 : i32
      %add3A_219 = vector.broadcast %add3A_218 : i32 to vector<16xi32>
      %add3A_220 = arith.addi %iota3A, %add3A_219 : vector<16xi32>
      %jit3A_221 = arith.constant 1048576 : i32
      %broadcast_in_dim3A_222 = vector.broadcast %jit3A_221 : i32 to vector<16xi32>
      %select_n3A_223 = arith.select %ge3A_217, %add3A_220, %broadcast_in_dim3A_222 : vector<16xi1>, vector<16xi32>
      %reduce_min3A_224 = arith.constant true
      %reduce_min3A_225 = vector.broadcast %reduce_min3A_224 : i1 to vector<16xi1>
      %reduce_min3A_226 = arith.constant -2147483648 : i32
      %reduce_min3A_227 = vector.broadcast %reduce_min3A_226 : i32 to vector<16xi32>
      %reduce_min3A_228 = arith.xori %select_n3A_223, %reduce_min3A_227 : vector<16xi32>
      %reduce_min3A_229 = tpu.scan <min>, %reduce_min3A_228 masked %reduce_min3A_225 : vector<16xi32>, vector<16xi1> -> vector<16xi32>
      %reduce_min3A_230 = arith.xori %reduce_min3A_229, %reduce_min3A_227 : vector<16xi32>
      %reduce_min3A_231 = vector.extract %reduce_min3A_230[15] : i32 from vector<16xi32>
      %min3A_232 = arith.minsi %reduce_min3A_215, %reduce_min3A_231 : i32
      %ge3A_233 = vector.broadcast %max3A_203 : f32 to vector<16xf32>
      %ge3A_234 = arith.cmpf oge, %add3A_189, %ge3A_233 : vector<16xf32>
      %add3A_235 = arith.constant 32 : i32
      %add3A_236 = vector.broadcast %add3A_235 : i32 to vector<16xi32>
      %add3A_237 = arith.addi %iota3A, %add3A_236 : vector<16xi32>
      %jit3A_238 = arith.constant 1048576 : i32
      %broadcast_in_dim3A_239 = vector.broadcast %jit3A_238 : i32 to vector<16xi32>
      %select_n3A_240 = arith.select %ge3A_234, %add3A_237, %broadcast_in_dim3A_239 : vector<16xi1>, vector<16xi32>
      %reduce_min3A_241 = arith.constant true
      %reduce_min3A_242 = vector.broadcast %reduce_min3A_241 : i1 to vector<16xi1>
      %reduce_min3A_243 = arith.constant -2147483648 : i32
      %reduce_min3A_244 = vector.broadcast %reduce_min3A_243 : i32 to vector<16xi32>
      %reduce_min3A_245 = arith.xori %select_n3A_240, %reduce_min3A_244 : vector<16xi32>
      %reduce_min3A_246 = tpu.scan <min>, %reduce_min3A_245 masked %reduce_min3A_242 : vector<16xi32>, vector<16xi1> -> vector<16xi32>
      %reduce_min3A_247 = arith.xori %reduce_min3A_246, %reduce_min3A_244 : vector<16xi32>
      %reduce_min3A_248 = vector.extract %reduce_min3A_247[15] : i32 from vector<16xi32>
      %min3A_249 = arith.minsi %min3A_232, %reduce_min3A_248 : i32
      %get3A_250 = arith.index_cast %min3A_249 : i32 to index
      %get3A_251 = arith.constant 0 : index
      %get3A_252 = tpu.vector_load %arg14[%get3A_250, %get3A_251] {strides = array<i32>} : memref<48x768xf32, #tpu.memory_space<vmem>>, vector<16xf32>,
      %swap3A_253 = arith.constant 0 : index
      %swap3A_254 = tpu.vector_load %arg17[%swap3A_253] {strides = array<i32>} : memref<768xf32, #tpu.memory_space<vmem>>, vector<16xf32>,
      tpu.vector_store %arg17[%swap3A_253], %get3A_252 {strides = array<i32>} : memref<768xf32, #tpu.memory_space<vmem>>, vector<16xf32>,
      %get3A_255 = arith.index_cast %min3A_249 : i32 to index
      %get3A_256 = arith.constant 16 : index
      %get3A_257 = tpu.vector_load %arg14[%get3A_255, %get3A_256] {strides = array<i32>} : memref<48x768xf32, #tpu.memory_space<vmem>>, vector<16xf32>,
      %swap3A_258 = arith.constant 16 : index
      %swap3A_259 = tpu.vector_load %arg17[%swap3A_258] {strides = array<i32>} : memref<768xf32, #tpu.memory_space<vmem>>, vector<16xf32>,
      tpu.vector_store %arg17[%swap3A_258], %get3A_257 {strides = array<i32>} : memref<768xf32, #tpu.memory_space<vmem>>, vector<16xf32>,
      %get3A_260 = arith.index_cast %min3A_249 : i32 to index
      %get3A_261 = arith.constant 32 : index
      %get3A_262 = tpu.vector_load %arg14[%get3A_260, %get3A_261] {strides = array<i32>} : memref<48x768xf32, #tpu.memory_space<vmem>>, vector<16xf32>,
      %swap3A_263 = arith.constant 32 : index
      %swap3A_264 = tpu.vector_load %arg17[%swap3A_263] {strides = array<i32>} : memref<768xf32, #tpu.memory_space<vmem>>, vector<16xf32>,
      tpu.vector_store %arg17[%swap3A_263], %get3A_262 {strides = array<i32>} : memref<768xf32, #tpu.memory_space<vmem>>, vector<16xf32>,
      %get3A_265 = arith.index_cast %min3A_249 : i32 to index
      %get3A_266 = arith.constant 48 : index
      %get3A_267 = tpu.vector_load %arg14[%get3A_265, %get3A_266] {strides = array<i32>} : memref<48x768xf32, #tpu.memory_space<vmem>>, vector<16xf32>,
      %swap3A_268 = arith.constant 48 : index
      %swap3A_269 = tpu.vector_load %arg17[%swap3A_268] {strides = array<i32>} : memref<768xf32, #tpu.memory_space<vmem>>, vector<16xf32>,
      tpu.vector_store %arg17[%swap3A_268], %get3A_267 {strides = array<i32>} : memref<768xf32, #tpu.memory_space<vmem>>, vector<16xf32>,
      %get3A_270 = arith.index_cast %min3A_249 : i32 to index
      %get3A_271 = arith.constant 64 : index
      %get3A_272 = tpu.vector_load %arg14[%get3A_270, %get3A_271] {strides = array<i32>} : memref<48x768xf32, #tpu.memory_space<vmem>>, vector<16xf32>,
      %swap3A_273 = arith.constant 64 : index
      %swap3A_274 = tpu.vector_load %arg17[%swap3A_273] {strides = array<i32>} : memref<768xf32, #tpu.memory_space<vmem>>, vector<16xf32>,
      tpu.vector_store %arg17[%swap3A_273], %get3A_272 {strides = array<i32>} : memref<768xf32, #tpu.memory_space<vmem>>, vector<16xf32>,
      %get3A_275 = arith.index_cast %min3A_249 : i32 to index
      %get3A_276 = arith.constant 80 : index
      %get3A_277 = tpu.vector_load %arg14[%get3A_275, %get3A_276] {strides = array<i32>} : memref<48x768xf32, #tpu.memory_space<vmem>>, vector<16xf32>,
      %swap3A_278 = arith.constant 80 : index
      %swap3A_279 = tpu.vector_load %arg17[%swap3A_278] {strides = array<i32>} : memref<768xf32, #tpu.memory_space<vmem>>, vector<16xf32>,
      tpu.vector_store %arg17[%swap3A_278], %get3A_277 {strides = array<i32>} : memref<768xf32, #tpu.memory_space<vmem>>, vector<16xf32>,
      %get3A_280 = arith.index_cast %min3A_249 : i32 to index
      %get3A_281 = arith.constant 96 : index
      %get3A_282 = tpu.vector_load %arg14[%get3A_280, %get3A_281] {strides = array<i32>} : memref<48x768xf32, #tpu.memory_space<vmem>>, vector<16xf32>,
      %swap3A_283 = arith.constant 96 : index
      %swap3A_284 = tpu.vector_load %arg17[%swap3A_283] {strides = array<i32>} : memref<768xf32, #tpu.memory_space<vmem>>, vector<16xf32>,
      tpu.vector_store %arg17[%swap3A_283], %get3A_282 {strides = array<i32>} : memref<768xf32, #tpu.memory_space<vmem>>, vector<16xf32>,
      %get3A_285 = arith.index_cast %min3A_249 : i32 to index
      %get3A_286 = arith.constant 112 : index
      %get3A_287 = tpu.vector_load %arg14[%get3A_285, %get3A_286] {strides = array<i32>} : memref<48x768xf32, #tpu.memory_space<vmem>>, vector<16xf32>,
      %swap3A_288 = arith.constant 112 : index
      %swap3A_289 = tpu.vector_load %arg17[%swap3A_288] {strides = array<i32>} : memref<768xf32, #tpu.memory_space<vmem>>, vector<16xf32>,
      tpu.vector_store %arg17[%swap3A_288], %get3A_287 {strides = array<i32>} : memref<768xf32, #tpu.memory_space<vmem>>, vector<16xf32>,
      %get3A_290 = arith.index_cast %min3A_249 : i32 to index
      %get3A_291 = arith.constant 128 : index
      %get3A_292 = tpu.vector_load %arg14[%get3A_290, %get3A_291] {strides = array<i32>} : memref<48x768xf32, #tpu.memory_space<vmem>>, vector<16xf32>,
      %swap3A_293 = arith.constant 128 : index
      %swap3A_294 = tpu.vector_load %arg17[%swap3A_293] {strides = array<i32>} : memref<768xf32, #tpu.memory_space<vmem>>, vector<16xf32>,
      tpu.vector_store %arg17[%swap3A_293], %get3A_292 {strides = array<i32>} : memref<768xf32, #tpu.memory_space<vmem>>, vector<16xf32>,
      %get3A_295 = arith.index_cast %min3A_249 : i32 to index
      %get3A_296 = arith.constant 144 : index
      %get3A_297 = tpu.vector_load %arg14[%get3A_295, %get3A_296] {strides = array<i32>} : memref<48x768xf32, #tpu.memory_space<vmem>>, vector<16xf32>,
      %swap3A_298 = arith.constant 144 : index
      %swap3A_299 = tpu.vector_load %arg17[%swap3A_298] {strides = array<i32>} : memref<768xf32, #tpu.memory_space<vmem>>, vector<16xf32>,
      tpu.vector_store %arg17[%swap3A_298], %get3A_297 {strides = array<i32>} : memref<768xf32, #tpu.memory_space<vmem>>, vector<16xf32>,
      %get3A_300 = arith.index_cast %min3A_249 : i32 to index
      %get3A_301 = arith.constant 160 : index
      %get3A_302 = tpu.vector_load %arg14[%get3A_300, %get3A_301] {strides = array<i32>} : memref<48x768xf32, #tpu.memory_space<vmem>>, vector<16xf32>,
      %swap3A_303 = arith.constant 160 : index
      %swap3A_304 = tpu.vector_load %arg17[%swap3A_303] {strides = array<i32>} : memref<768xf32, #tpu.memory_space<vmem>>, vector<16xf32>,
      tpu.vector_store %arg17[%swap3A_303], %get3A_302 {strides = array<i32>} : memref<768xf32, #tpu.memory_space<vmem>>, vector<16xf32>,
      %get3A_305 = arith.index_cast %min3A_249 : i32 to index
      %get3A_306 = arith.constant 176 : index
      %get3A_307 = tpu.vector_load %arg14[%get3A_305, %get3A_306] {strides = array<i32>} : memref<48x768xf32, #tpu.memory_space<vmem>>, vector<16xf32>,
      %swap3A_308 = arith.constant 176 : index
      %swap3A_309 = tpu.vector_load %arg17[%swap3A_308] {strides = array<i32>} : memref<768xf32, #tpu.memory_space<vmem>>, vector<16xf32>,
      tpu.vector_store %arg17[%swap3A_308], %get3A_307 {strides = array<i32>} : memref<768xf32, #tpu.memory_space<vmem>>, vector<16xf32>,
      %get3A_310 = arith.index_cast %min3A_249 : i32 to index
      %get3A_311 = arith.constant 192 : index
      %get3A_312 = tpu.vector_load %arg14[%get3A_310, %get3A_311] {strides = array<i32>} : memref<48x768xf32, #tpu.memory_space<vmem>>, vector<16xf32>,
      %swap3A_313 = arith.constant 192 : index
      %swap3A_314 = tpu.vector_load %arg17[%swap3A_313] {strides = array<i32>} : memref<768xf32, #tpu.memory_space<vmem>>, vector<16xf32>,
      tpu.vector_store %arg17[%swap3A_313], %get3A_312 {strides = array<i32>} : memref<768xf32, #tpu.memory_space<vmem>>, vector<16xf32>,
      %get3A_315 = arith.index_cast %min3A_249 : i32 to index
      %get3A_316 = arith.constant 208 : index
      %get3A_317 = tpu.vector_load %arg14[%get3A_315, %get3A_316] {strides = array<i32>} : memref<48x768xf32, #tpu.memory_space<vmem>>, vector<16xf32>,
      %swap3A_318 = arith.constant 208 : index
      %swap3A_319 = tpu.vector_load %arg17[%swap3A_318] {strides = array<i32>} : memref<768xf32, #tpu.memory_space<vmem>>, vector<16xf32>,
      tpu.vector_store %arg17[%swap3A_318], %get3A_317 {strides = array<i32>} : memref<768xf32, #tpu.memory_space<vmem>>, vector<16xf32>,
      %get3A_320 = arith.index_cast %min3A_249 : i32 to index
      %get3A_321 = arith.constant 224 : index
      %get3A_322 = tpu.vector_load %arg14[%get3A_320, %get3A_321] {strides = array<i32>} : memref<48x768xf32, #tpu.memory_space<vmem>>, vector<16xf32>,
      %swap3A_323 = arith.constant 224 : index
      %swap3A_324 = tpu.vector_load %arg17[%swap3A_323] {strides = array<i32>} : memref<768xf32, #tpu.memory_space<vmem>>, vector<16xf32>,
      tpu.vector_store %arg17[%swap3A_323], %get3A_322 {strides = array<i32>} : memref<768xf32, #tpu.memory_space<vmem>>, vector<16xf32>,
      %get3A_325 = arith.index_cast %min3A_249 : i32 to index
      %get3A_326 = arith.constant 240 : index
      %get3A_327 = tpu.vector_load %arg14[%get3A_325, %get3A_326] {strides = array<i32>} : memref<48x768xf32, #tpu.memory_space<vmem>>, vector<16xf32>,
      %swap3A_328 = arith.constant 240 : index
      %swap3A_329 = tpu.vector_load %arg17[%swap3A_328] {strides = array<i32>} : memref<768xf32, #tpu.memory_space<vmem>>, vector<16xf32>,
      tpu.vector_store %arg17[%swap3A_328], %get3A_327 {strides = array<i32>} : memref<768xf32, #tpu.memory_space<vmem>>, vector<16xf32>,
      %get3A_330 = arith.index_cast %min3A_249 : i32 to index
      %get3A_331 = arith.constant 256 : index
      %get3A_332 = tpu.vector_load %arg14[%get3A_330, %get3A_331] {strides = array<i32>} : memref<48x768xf32, #tpu.memory_space<vmem>>, vector<16xf32>,
      %swap3A_333 = arith.constant 256 : index
      %swap3A_334 = tpu.vector_load %arg17[%swap3A_333] {strides = array<i32>} : memref<768xf32, #tpu.memory_space<vmem>>, vector<16xf32>,
      tpu.vector_store %arg17[%swap3A_333], %get3A_332 {strides = array<i32>} : memref<768xf32, #tpu.memory_space<vmem>>, vector<16xf32>,
      %get3A_335 = arith.index_cast %min3A_249 : i32 to index
      %get3A_336 = arith.constant 272 : index
      %get3A_337 = tpu.vector_load %arg14[%get3A_335, %get3A_336] {strides = array<i32>} : memref<48x768xf32, #tpu.memory_space<vmem>>, vector<16xf32>,
      %swap3A_338 = arith.constant 272 : index
      %swap3A_339 = tpu.vector_load %arg17[%swap3A_338] {strides = array<i32>} : memref<768xf32, #tpu.memory_space<vmem>>, vector<16xf32>,
      tpu.vector_store %arg17[%swap3A_338], %get3A_337 {strides = array<i32>} : memref<768xf32, #tpu.memory_space<vmem>>, vector<16xf32>,
      %get3A_340 = arith.index_cast %min3A_249 : i32 to index
      %get3A_341 = arith.constant 288 : index
      %get3A_342 = tpu.vector_load %arg14[%get3A_340, %get3A_341] {strides = array<i32>} : memref<48x768xf32, #tpu.memory_space<vmem>>, vector<16xf32>,
      %swap3A_343 = arith.constant 288 : index
      %swap3A_344 = tpu.vector_load %arg17[%swap3A_343] {strides = array<i32>} : memref<768xf32, #tpu.memory_space<vmem>>, vector<16xf32>,
      tpu.vector_store %arg17[%swap3A_343], %get3A_342 {strides = array<i32>} : memref<768xf32, #tpu.memory_space<vmem>>, vector<16xf32>,
      %get3A_345 = arith.index_cast %min3A_249 : i32 to index
      %get3A_346 = arith.constant 304 : index
      %get3A_347 = tpu.vector_load %arg14[%get3A_345, %get3A_346] {strides = array<i32>} : memref<48x768xf32, #tpu.memory_space<vmem>>, vector<16xf32>,
      %swap3A_348 = arith.constant 304 : index
      %swap3A_349 = tpu.vector_load %arg17[%swap3A_348] {strides = array<i32>} : memref<768xf32, #tpu.memory_space<vmem>>, vector<16xf32>,
      tpu.vector_store %arg17[%swap3A_348], %get3A_347 {strides = array<i32>} : memref<768xf32, #tpu.memory_space<vmem>>, vector<16xf32>,
      %get3A_350 = arith.index_cast %min3A_249 : i32 to index
      %get3A_351 = arith.constant 320 : index
      %get3A_352 = tpu.vector_load %arg14[%get3A_350, %get3A_351] {strides = array<i32>} : memref<48x768xf32, #tpu.memory_space<vmem>>, vector<16xf32>,
      %swap3A_353 = arith.constant 320 : index
      %swap3A_354 = tpu.vector_load %arg17[%swap3A_353] {strides = array<i32>} : memref<768xf32, #tpu.memory_space<vmem>>, vector<16xf32>,
      tpu.vector_store %arg17[%swap3A_353], %get3A_352 {strides = array<i32>} : memref<768xf32, #tpu.memory_space<vmem>>, vector<16xf32>,
      %get3A_355 = arith.index_cast %min3A_249 : i32 to index
      %get3A_356 = arith.constant 336 : index
      %get3A_357 = tpu.vector_load %arg14[%get3A_355, %get3A_356] {strides = array<i32>} : memref<48x768xf32, #tpu.memory_space<vmem>>, vector<16xf32>,
      %swap3A_358 = arith.constant 336 : index
      %swap3A_359 = tpu.vector_load %arg17[%swap3A_358] {strides = array<i32>} : memref<768xf32, #tpu.memory_space<vmem>>, vector<16xf32>,
      tpu.vector_store %arg17[%swap3A_358], %get3A_357 {strides = array<i32>} : memref<768xf32, #tpu.memory_space<vmem>>, vector<16xf32>,
      %get3A_360 = arith.index_cast %min3A_249 : i32 to index
      %get3A_361 = arith.constant 352 : index
      %get3A_362 = tpu.vector_load %arg14[%get3A_360, %get3A_361] {strides = array<i32>} : memref<48x768xf32, #tpu.memory_space<vmem>>, vector<16xf32>,
      %swap3A_363 = arith.constant 352 : index
      %swap3A_364 = tpu.vector_load %arg17[%swap3A_363] {strides = array<i32>} : memref<768xf32, #tpu.memory_space<vmem>>, vector<16xf32>,
      tpu.vector_store %arg17[%swap3A_363], %get3A_362 {strides = array<i32>} : memref<768xf32, #tpu.memory_space<vmem>>, vector<16xf32>,
      %get3A_365 = arith.index_cast %min3A_249 : i32 to index
      %get3A_366 = arith.constant 368 : index
      %get3A_367 = tpu.vector_load %arg14[%get3A_365, %get3A_366] {strides = array<i32>} : memref<48x768xf32, #tpu.memory_space<vmem>>, vector<16xf32>,
      %swap3A_368 = arith.constant 368 : index
      %swap3A_369 = tpu.vector_load %arg17[%swap3A_368] {strides = array<i32>} : memref<768xf32, #tpu.memory_space<vmem>>, vector<16xf32>,
      tpu.vector_store %arg17[%swap3A_368], %get3A_367 {strides = array<i32>} : memref<768xf32, #tpu.memory_space<vmem>>, vector<16xf32>,
      %get3A_370 = arith.index_cast %min3A_249 : i32 to index
      %get3A_371 = arith.constant 384 : index
      %get3A_372 = tpu.vector_load %arg14[%get3A_370, %get3A_371] {strides = array<i32>} : memref<48x768xf32, #tpu.memory_space<vmem>>, vector<16xf32>,
      %swap3A_373 = arith.constant 384 : index
      %swap3A_374 = tpu.vector_load %arg17[%swap3A_373] {strides = array<i32>} : memref<768xf32, #tpu.memory_space<vmem>>, vector<16xf32>,
      tpu.vector_store %arg17[%swap3A_373], %get3A_372 {strides = array<i32>} : memref<768xf32, #tpu.memory_space<vmem>>, vector<16xf32>,
      %get3A_375 = arith.index_cast %min3A_249 : i32 to index
      %get3A_376 = arith.constant 400 : index
      %get3A_377 = tpu.vector_load %arg14[%get3A_375, %get3A_376] {strides = array<i32>} : memref<48x768xf32, #tpu.memory_space<vmem>>, vector<16xf32>,
      %swap3A_378 = arith.constant 400 : index
      %swap3A_379 = tpu.vector_load %arg17[%swap3A_378] {strides = array<i32>} : memref<768xf32, #tpu.memory_space<vmem>>, vector<16xf32>,
      tpu.vector_store %arg17[%swap3A_378], %get3A_377 {strides = array<i32>} : memref<768xf32, #tpu.memory_space<vmem>>, vector<16xf32>,
      %get3A_380 = arith.index_cast %min3A_249 : i32 to index
      %get3A_381 = arith.constant 416 : index
      %get3A_382 = tpu.vector_load %arg14[%get3A_380, %get3A_381] {strides = array<i32>} : memref<48x768xf32, #tpu.memory_space<vmem>>, vector<16xf32>,
      %swap3A_383 = arith.constant 416 : index
      %swap3A_384 = tpu.vector_load %arg17[%swap3A_383] {strides = array<i32>} : memref<768xf32, #tpu.memory_space<vmem>>, vector<16xf32>,
      tpu.vector_store %arg17[%swap3A_383], %get3A_382 {strides = array<i32>} : memref<768xf32, #tpu.memory_space<vmem>>, vector<16xf32>,
      %get3A_385 = arith.index_cast %min3A_249 : i32 to index
      %get3A_386 = arith.constant 432 : index
      %get3A_387 = tpu.vector_load %arg14[%get3A_385, %get3A_386] {strides = array<i32>} : memref<48x768xf32, #tpu.memory_space<vmem>>, vector<16xf32>,
      %swap3A_388 = arith.constant 432 : index
      %swap3A_389 = tpu.vector_load %arg17[%swap3A_388] {strides = array<i32>} : memref<768xf32, #tpu.memory_space<vmem>>, vector<16xf32>,
      tpu.vector_store %arg17[%swap3A_388], %get3A_387 {strides = array<i32>} : memref<768xf32, #tpu.memory_space<vmem>>, vector<16xf32>,
      %get3A_390 = arith.index_cast %min3A_249 : i32 to index
      %get3A_391 = arith.constant 448 : index
      %get3A_392 = tpu.vector_load %arg14[%get3A_390, %get3A_391] {strides = array<i32>} : memref<48x768xf32, #tpu.memory_space<vmem>>, vector<16xf32>,
      %swap3A_393 = arith.constant 448 : index
      %swap3A_394 = tpu.vector_load %arg17[%swap3A_393] {strides = array<i32>} : memref<768xf32, #tpu.memory_space<vmem>>, vector<16xf32>,
      tpu.vector_store %arg17[%swap3A_393], %get3A_392 {strides = array<i32>} : memref<768xf32, #tpu.memory_space<vmem>>, vector<16xf32>,
      %get3A_395 = arith.index_cast %min3A_249 : i32 to index
      %get3A_396 = arith.constant 464 : index
      %get3A_397 = tpu.vector_load %arg14[%get3A_395, %get3A_396] {strides = array<i32>} : memref<48x768xf32, #tpu.memory_space<vmem>>, vector<16xf32>,
      %swap3A_398 = arith.constant 464 : index
      %swap3A_399 = tpu.vector_load %arg17[%swap3A_398] {strides = array<i32>} : memref<768xf32, #tpu.memory_space<vmem>>, vector<16xf32>,
      tpu.vector_store %arg17[%swap3A_398], %get3A_397 {strides = array<i32>} : memref<768xf32, #tpu.memory_space<vmem>>, vector<16xf32>,
      %get3A_400 = arith.index_cast %min3A_249 : i32 to index
      %get3A_401 = arith.constant 480 : index
      %get3A_402 = tpu.vector_load %arg14[%get3A_400, %get3A_401] {strides = array<i32>} : memref<48x768xf32, #tpu.memory_space<vmem>>, vector<16xf32>,
      %swap3A_403 = arith.constant 480 : index
      %swap3A_404 = tpu.vector_load %arg17[%swap3A_403] {strides = array<i32>} : memref<768xf32, #tpu.memory_space<vmem>>, vector<16xf32>,
      tpu.vector_store %arg17[%swap3A_403], %get3A_402 {strides = array<i32>} : memref<768xf32, #tpu.memory_space<vmem>>, vector<16xf32>,
      %get3A_405 = arith.index_cast %min3A_249 : i32 to index
      %get3A_406 = arith.constant 496 : index
      %get3A_407 = tpu.vector_load %arg14[%get3A_405, %get3A_406] {strides = array<i32>} : memref<48x768xf32, #tpu.memory_space<vmem>>, vector<16xf32>,
      %swap3A_408 = arith.constant 496 : index
      %swap3A_409 = tpu.vector_load %arg17[%swap3A_408] {strides = array<i32>} : memref<768xf32, #tpu.memory_space<vmem>>, vector<16xf32>,
      tpu.vector_store %arg17[%swap3A_408], %get3A_407 {strides = array<i32>} : memref<768xf32, #tpu.memory_space<vmem>>, vector<16xf32>,
      %get3A_410 = arith.index_cast %min3A_249 : i32 to index
      %get3A_411 = arith.constant 512 : index
      %get3A_412 = tpu.vector_load %arg14[%get3A_410, %get3A_411] {strides = array<i32>} : memref<48x768xf32, #tpu.memory_space<vmem>>, vector<16xf32>,
      %swap3A_413 = arith.constant 512 : index
      %swap3A_414 = tpu.vector_load %arg17[%swap3A_413] {strides = array<i32>} : memref<768xf32, #tpu.memory_space<vmem>>, vector<16xf32>,
      tpu.vector_store %arg17[%swap3A_413], %get3A_412 {strides = array<i32>} : memref<768xf32, #tpu.memory_space<vmem>>, vector<16xf32>,
      %get3A_415 = arith.index_cast %min3A_249 : i32 to index
      %get3A_416 = arith.constant 528 : index
      %get3A_417 = tpu.vector_load %arg14[%get3A_415, %get3A_416] {strides = array<i32>} : memref<48x768xf32, #tpu.memory_space<vmem>>, vector<16xf32>,
      %swap3A_418 = arith.constant 528 : index
      %swap3A_419 = tpu.vector_load %arg17[%swap3A_418] {strides = array<i32>} : memref<768xf32, #tpu.memory_space<vmem>>, vector<16xf32>,
      tpu.vector_store %arg17[%swap3A_418], %get3A_417 {strides = array<i32>} : memref<768xf32, #tpu.memory_space<vmem>>, vector<16xf32>,
      %get3A_420 = arith.index_cast %min3A_249 : i32 to index
      %get3A_421 = arith.constant 544 : index
      %get3A_422 = tpu.vector_load %arg14[%get3A_420, %get3A_421] {strides = array<i32>} : memref<48x768xf32, #tpu.memory_space<vmem>>, vector<16xf32>,
      %swap3A_423 = arith.constant 544 : index
      %swap3A_424 = tpu.vector_load %arg17[%swap3A_423] {strides = array<i32>} : memref<768xf32, #tpu.memory_space<vmem>>, vector<16xf32>,
      tpu.vector_store %arg17[%swap3A_423], %get3A_422 {strides = array<i32>} : memref<768xf32, #tpu.memory_space<vmem>>, vector<16xf32>,
      %get3A_425 = arith.index_cast %min3A_249 : i32 to index
      %get3A_426 = arith.constant 560 : index
      %get3A_427 = tpu.vector_load %arg14[%get3A_425, %get3A_426] {strides = array<i32>} : memref<48x768xf32, #tpu.memory_space<vmem>>, vector<16xf32>,
      %swap3A_428 = arith.constant 560 : index
      %swap3A_429 = tpu.vector_load %arg17[%swap3A_428] {strides = array<i32>} : memref<768xf32, #tpu.memory_space<vmem>>, vector<16xf32>,
      tpu.vector_store %arg17[%swap3A_428], %get3A_427 {strides = array<i32>} : memref<768xf32, #tpu.memory_space<vmem>>, vector<16xf32>,
      %get3A_430 = arith.index_cast %min3A_249 : i32 to index
      %get3A_431 = arith.constant 576 : index
      %get3A_432 = tpu.vector_load %arg14[%get3A_430, %get3A_431] {strides = array<i32>} : memref<48x768xf32, #tpu.memory_space<vmem>>, vector<16xf32>,
      %swap3A_433 = arith.constant 576 : index
      %swap3A_434 = tpu.vector_load %arg17[%swap3A_433] {strides = array<i32>} : memref<768xf32, #tpu.memory_space<vmem>>, vector<16xf32>,
      tpu.vector_store %arg17[%swap3A_433], %get3A_432 {strides = array<i32>} : memref<768xf32, #tpu.memory_space<vmem>>, vector<16xf32>,
      %get3A_435 = arith.index_cast %min3A_249 : i32 to index
      %get3A_436 = arith.constant 592 : index
      %get3A_437 = tpu.vector_load %arg14[%get3A_435, %get3A_436] {strides = array<i32>} : memref<48x768xf32, #tpu.memory_space<vmem>>, vector<16xf32>,
      %swap3A_438 = arith.constant 592 : index
      %swap3A_439 = tpu.vector_load %arg17[%swap3A_438] {strides = array<i32>} : memref<768xf32, #tpu.memory_space<vmem>>, vector<16xf32>,
      tpu.vector_store %arg17[%swap3A_438], %get3A_437 {strides = array<i32>} : memref<768xf32, #tpu.memory_space<vmem>>, vector<16xf32>,
      %get3A_440 = arith.index_cast %min3A_249 : i32 to index
      %get3A_441 = arith.constant 608 : index
      %get3A_442 = tpu.vector_load %arg14[%get3A_440, %get3A_441] {strides = array<i32>} : memref<48x768xf32, #tpu.memory_space<vmem>>, vector<16xf32>,
      %swap3A_443 = arith.constant 608 : index
      %swap3A_444 = tpu.vector_load %arg17[%swap3A_443] {strides = array<i32>} : memref<768xf32, #tpu.memory_space<vmem>>, vector<16xf32>,
      tpu.vector_store %arg17[%swap3A_443], %get3A_442 {strides = array<i32>} : memref<768xf32, #tpu.memory_space<vmem>>, vector<16xf32>,
      %get3A_445 = arith.index_cast %min3A_249 : i32 to index
      %get3A_446 = arith.constant 624 : index
      %get3A_447 = tpu.vector_load %arg14[%get3A_445, %get3A_446] {strides = array<i32>} : memref<48x768xf32, #tpu.memory_space<vmem>>, vector<16xf32>,
      %swap3A_448 = arith.constant 624 : index
      %swap3A_449 = tpu.vector_load %arg17[%swap3A_448] {strides = array<i32>} : memref<768xf32, #tpu.memory_space<vmem>>, vector<16xf32>,
      tpu.vector_store %arg17[%swap3A_448], %get3A_447 {strides = array<i32>} : memref<768xf32, #tpu.memory_space<vmem>>, vector<16xf32>,
      %get3A_450 = arith.index_cast %min3A_249 : i32 to index
      %get3A_451 = arith.constant 640 : index
      %get3A_452 = tpu.vector_load %arg14[%get3A_450, %get3A_451] {strides = array<i32>} : memref<48x768xf32, #tpu.memory_space<vmem>>, vector<16xf32>,
      %swap3A_453 = arith.constant 640 : index
      %swap3A_454 = tpu.vector_load %arg17[%swap3A_453] {strides = array<i32>} : memref<768xf32, #tpu.memory_space<vmem>>, vector<16xf32>,
      tpu.vector_store %arg17[%swap3A_453], %get3A_452 {strides = array<i32>} : memref<768xf32, #tpu.memory_space<vmem>>, vector<16xf32>,
      %get3A_455 = arith.index_cast %min3A_249 : i32 to index
      %get3A_456 = arith.constant 656 : index
      %get3A_457 = tpu.vector_load %arg14[%get3A_455, %get3A_456] {strides = array<i32>} : memref<48x768xf32, #tpu.memory_space<vmem>>, vector<16xf32>,
      %swap3A_458 = arith.constant 656 : index
      %swap3A_459 = tpu.vector_load %arg17[%swap3A_458] {strides = array<i32>} : memref<768xf32, #tpu.memory_space<vmem>>, vector<16xf32>,
      tpu.vector_store %arg17[%swap3A_458], %get3A_457 {strides = array<i32>} : memref<768xf32, #tpu.memory_space<vmem>>, vector<16xf32>,
      %get3A_460 = arith.index_cast %min3A_249 : i32 to index
      %get3A_461 = arith.constant 672 : index
      %get3A_462 = tpu.vector_load %arg14[%get3A_460, %get3A_461] {strides = array<i32>} : memref<48x768xf32, #tpu.memory_space<vmem>>, vector<16xf32>,
      %swap3A_463 = arith.constant 672 : index
      %swap3A_464 = tpu.vector_load %arg17[%swap3A_463] {strides = array<i32>} : memref<768xf32, #tpu.memory_space<vmem>>, vector<16xf32>,
      tpu.vector_store %arg17[%swap3A_463], %get3A_462 {strides = array<i32>} : memref<768xf32, #tpu.memory_space<vmem>>, vector<16xf32>,
      %get3A_465 = arith.index_cast %min3A_249 : i32 to index
      %get3A_466 = arith.constant 688 : index
      %get3A_467 = tpu.vector_load %arg14[%get3A_465, %get3A_466] {strides = array<i32>} : memref<48x768xf32, #tpu.memory_space<vmem>>, vector<16xf32>,
      %swap3A_468 = arith.constant 688 : index
      %swap3A_469 = tpu.vector_load %arg17[%swap3A_468] {strides = array<i32>} : memref<768xf32, #tpu.memory_space<vmem>>, vector<16xf32>,
      tpu.vector_store %arg17[%swap3A_468], %get3A_467 {strides = array<i32>} : memref<768xf32, #tpu.memory_space<vmem>>, vector<16xf32>,
      %get3A_470 = arith.index_cast %min3A_249 : i32 to index
      %get3A_471 = arith.constant 704 : index
      %get3A_472 = tpu.vector_load %arg14[%get3A_470, %get3A_471] {strides = array<i32>} : memref<48x768xf32, #tpu.memory_space<vmem>>, vector<16xf32>,
      %swap3A_473 = arith.constant 704 : index
      %swap3A_474 = tpu.vector_load %arg17[%swap3A_473] {strides = array<i32>} : memref<768xf32, #tpu.memory_space<vmem>>, vector<16xf32>,
      tpu.vector_store %arg17[%swap3A_473], %get3A_472 {strides = array<i32>} : memref<768xf32, #tpu.memory_space<vmem>>, vector<16xf32>,
      %get3A_475 = arith.index_cast %min3A_249 : i32 to index
      %get3A_476 = arith.constant 720 : index
      %get3A_477 = tpu.vector_load %arg14[%get3A_475, %get3A_476] {strides = array<i32>} : memref<48x768xf32, #tpu.memory_space<vmem>>, vector<16xf32>,
      %swap3A_478 = arith.constant 720 : index
      %swap3A_479 = tpu.vector_load %arg17[%swap3A_478] {strides = array<i32>} : memref<768xf32, #tpu.memory_space<vmem>>, vector<16xf32>,
      tpu.vector_store %arg17[%swap3A_478], %get3A_477 {strides = array<i32>} : memref<768xf32, #tpu.memory_space<vmem>>, vector<16xf32>,
      %get3A_480 = arith.index_cast %min3A_249 : i32 to index
      %get3A_481 = arith.constant 736 : index
      %get3A_482 = tpu.vector_load %arg14[%get3A_480, %get3A_481] {strides = array<i32>} : memref<48x768xf32, #tpu.memory_space<vmem>>, vector<16xf32>,
      %swap3A_483 = arith.constant 736 : index
      %swap3A_484 = tpu.vector_load %arg17[%swap3A_483] {strides = array<i32>} : memref<768xf32, #tpu.memory_space<vmem>>, vector<16xf32>,
      tpu.vector_store %arg17[%swap3A_483], %get3A_482 {strides = array<i32>} : memref<768xf32, #tpu.memory_space<vmem>>, vector<16xf32>,
      %get3A_485 = arith.index_cast %min3A_249 : i32 to index
      %get3A_486 = arith.constant 752 : index
      %get3A_487 = tpu.vector_load %arg14[%get3A_485, %get3A_486] {strides = array<i32>} : memref<48x768xf32, #tpu.memory_space<vmem>>, vector<16xf32>,
      %swap3A_488 = arith.constant 752 : index
      %swap3A_489 = tpu.vector_load %arg17[%swap3A_488] {strides = array<i32>} : memref<768xf32, #tpu.memory_space<vmem>>, vector<16xf32>,
      tpu.vector_store %arg17[%swap3A_488], %get3A_487 {strides = array<i32>} : memref<768xf32, #tpu.memory_space<vmem>>, vector<16xf32>,
      %mul3A_490 = arith.constant 768 : i32
      %mul3A_491 = arith.muli %add3A, %mul3A_490 : i32
      "tpu.region"() ({
        %run_scoped3A = tpu.sem_alloc : memref<!tpu.dma_semaphore, #tpu.memory_space<semaphore_mem>>
        %dma_start3A_506 = tpu.memref_slice %arg7[%mul3A_491] : memref<4608xf32, #tpu.memory_space<hbm>> -> memref<768xf32, #tpu.memory_space<hbm>>
        %dma_start3A_507 = tpu.memref_slice %arg7[%mul3A_491] : memref<4608xf32, #tpu.memory_space<hbm>> -> memref<768xf32, #tpu.memory_space<hbm>>
        tpu.enqueue_dma source(%arg17 : memref<768xf32, #tpu.memory_space<vmem>>) target(%dma_start3A_507 : memref<768xf32, #tpu.memory_space<hbm>>) target_semaphore(%run_scoped3A : memref<!tpu.dma_semaphore, #tpu.memory_space<semaphore_mem>>)
        %dma_wait3A_508 = tpu.memref_slice %arg7[%mul3A_491] : memref<4608xf32, #tpu.memory_space<hbm>> -> memref<768xf32, #tpu.memory_space<hbm>>
        %dma_wait3A_509 = tpu.memref_slice %arg7[%mul3A_491] : memref<4608xf32, #tpu.memory_space<hbm>> -> memref<768xf32, #tpu.memory_space<hbm>>
        tpu.wait_dma2 semaphore(%run_scoped3A : memref<!tpu.dma_semaphore, #tpu.memory_space<semaphore_mem>>) src(%arg17 : memref<768xf32, #tpu.memory_space<vmem>>) dst(%dma_wait3A_509 : memref<768xf32, #tpu.memory_space<hbm>>)
        tpu.yield
      }) : () -> ()
      %mul3A_492 = arith.constant 4096 : i32
      %mul3A_493 = arith.muli %min3A_249, %mul3A_492 : i32
      %mul3A_494 = arith.constant 2048 : i32
      %mul3A_495 = arith.muli %arg0, %mul3A_494 : i32
      %add3A_496 = arith.addi %mul3A_493, %mul3A_495 : i32
      %add3A_497 = arith.addi %add3A_496, %reduce_sum3A_167 : i32
      %broadcast_in_dim3A_498 = arith.constant 0 : i32
      %broadcast_in_dim3A_499 = vector.broadcast %broadcast_in_dim3A_498 : i32 to vector<16xi32>
      %add3A_500 = vector.broadcast %add3A_497 : i32 to vector<16xi32>
      %add3A_501 = arith.addi %broadcast_in_dim3A_499, %add3A_500 : vector<16xi32>
      %swap3A_502 = arith.constant 0 : index
      %swap3A_503 = tpu.vector_load %arg18[%swap3A_502] {strides = array<i32>} : memref<16xi32, #tpu.memory_space<vmem>>, vector<16xi32>,
      tpu.vector_store %arg18[%swap3A_502], %add3A_501 {strides = array<i32>} : memref<16xi32, #tpu.memory_space<vmem>>, vector<16xi32>,
      %mul3A_504 = arith.constant 16 : i32
      %mul3A_505 = arith.muli %mul3A_504, %arg1 : i32
      "tpu.region"() ({
        %run_scoped3A = tpu.sem_alloc : memref<!tpu.dma_semaphore, #tpu.memory_space<semaphore_mem>>
        %dma_start3A_506 = tpu.memref_slice %arg20[%mul3A_505] : memref<48xi32, #tpu.memory_space<vmem_shared>> -> memref<16xi32, #tpu.memory_space<vmem_shared>>
        %dma_start3A_507 = tpu.memref_slice %arg20[%mul3A_505] : memref<48xi32, #tpu.memory_space<vmem_shared>> -> memref<16xi32, #tpu.memory_space<vmem_shared>>
        tpu.enqueue_dma source(%arg18 : memref<16xi32, #tpu.memory_space<vmem>>) target(%dma_start3A_507 : memref<16xi32, #tpu.memory_space<vmem_shared>>) target_semaphore(%run_scoped3A : memref<!tpu.dma_semaphore, #tpu.memory_space<semaphore_mem>>)
        %dma_wait3A_508 = tpu.memref_slice %arg20[%mul3A_505] : memref<48xi32, #tpu.memory_space<vmem_shared>> -> memref<16xi32, #tpu.memory_space<vmem_shared>>
        %dma_wait3A_509 = tpu.memref_slice %arg20[%mul3A_505] : memref<48xi32, #tpu.memory_space<vmem_shared>> -> memref<16xi32, #tpu.memory_space<vmem_shared>>
        tpu.wait_dma2 semaphore(%run_scoped3A : memref<!tpu.dma_semaphore, #tpu.memory_space<semaphore_mem>>) src(%arg18 : memref<16xi32, #tpu.memory_space<vmem>>) dst(%dma_wait3A_509 : memref<16xi32, #tpu.memory_space<vmem_shared>>)
        tpu.yield
      }) : () -> ()
    } else {
    }
    %barrier3A = arith.constant 0 : index
    tpu.barrier barrier_id(%barrier3A)
    %lt3A_2 = arith.constant 12 : i32
    %lt3A_3 = arith.cmpi slt, %arg1, %lt3A_2 : i32
    %convert_element_type3A_4 = arith.extui %lt3A_3 : i1 to i32
    %cond3A_5 = arith.constant 0 : i32
    %cond3A_6 = arith.cmpi ne, %convert_element_type3A_4, %cond3A_5 : i32
    scf.if %cond3A_6 {
      "tpu.region"() ({
        %run_scoped3A = tpu.sem_alloc : memref<!tpu.dma_semaphore, #tpu.memory_space<semaphore_mem>>
        tpu.enqueue_dma source(%arg20 : memref<48xi32, #tpu.memory_space<vmem_shared>>) target(%arg19 : memref<48xi32, #tpu.memory_space<vmem>>) target_semaphore(%run_scoped3A : memref<!tpu.dma_semaphore, #tpu.memory_space<semaphore_mem>>)
        tpu.wait_dma2 semaphore(%run_scoped3A : memref<!tpu.dma_semaphore, #tpu.memory_space<semaphore_mem>>) src(%arg20 : memref<48xi32, #tpu.memory_space<vmem_shared>>) dst(%arg19 : memref<48xi32, #tpu.memory_space<vmem>>)
        tpu.yield
      }) : () -> ()
      %get3A = arith.constant 0 : index
      %get3A_7 = tpu.vector_load %arg19[%get3A] {strides = array<i32>} : memref<48xi32, #tpu.memory_space<vmem>>, vector<16xi32>,
      %slice3A = vector.extract_strided_slice %get3A_7 {offsets = [0], sizes = [1], strides = [1]} : vector<16xi32> to vector<1xi32>
      %squeeze3A = vector.extract %slice3A[0] : i32 from vector<1xi32>
      %mul3A = arith.constant 48 : i32
      %mul3A_8 = arith.muli %arg1, %mul3A : i32
      %add3A = arith.addi %squeeze3A, %mul3A_8 : i32
      %add3A_9 = vector.broadcast %add3A : i32 to vector<16xi32>
      %add3A_10 = arith.addi %add3A_9, %iota3A : vector<16xi32>
      %add3A_11 = arith.constant 0 : i32
      %add3A_12 = vector.broadcast %add3A_11 : i32 to vector<16xi32>
      %add3A_13 = arith.addi %add3A_10, %add3A_12 : vector<16xi32>
      %swap3A = arith.constant 0 : index
      %swap3A_14 = tpu.vector_load %arg11[%swap3A] {strides = array<i32>} : memref<48xi32, #tpu.memory_space<vmem>>, vector<16xi32>,
      tpu.vector_store %arg11[%swap3A], %add3A_13 {strides = array<i32>} : memref<48xi32, #tpu.memory_space<vmem>>, vector<16xi32>,
      %mul3A_15 = arith.constant 48 : i32
      %mul3A_16 = arith.muli %arg1, %mul3A_15 : i32
      %add3A_17 = arith.addi %squeeze3A, %mul3A_16 : i32
      %add3A_18 = vector.broadcast %add3A_17 : i32 to vector<16xi32>
      %add3A_19 = arith.addi %add3A_18, %iota3A : vector<16xi32>
      %add3A_20 = arith.constant 16 : i32
      %add3A_21 = vector.broadcast %add3A_20 : i32 to vector<16xi32>
      %add3A_22 = arith.addi %add3A_19, %add3A_21 : vector<16xi32>
      %swap3A_23 = arith.constant 16 : index
      %swap3A_24 = tpu.vector_load %arg11[%swap3A_23] {strides = array<i32>} : memref<48xi32, #tpu.memory_space<vmem>>, vector<16xi32>,
      tpu.vector_store %arg11[%swap3A_23], %add3A_22 {strides = array<i32>} : memref<48xi32, #tpu.memory_space<vmem>>, vector<16xi32>,
      %mul3A_25 = arith.constant 48 : i32
      %mul3A_26 = arith.muli %arg1, %mul3A_25 : i32
      %add3A_27 = arith.addi %squeeze3A, %mul3A_26 : i32
      %add3A_28 = vector.broadcast %add3A_27 : i32 to vector<16xi32>
      %add3A_29 = arith.addi %add3A_28, %iota3A : vector<16xi32>
      %add3A_30 = arith.constant 32 : i32
      %add3A_31 = vector.broadcast %add3A_30 : i32 to vector<16xi32>
      %add3A_32 = arith.addi %add3A_29, %add3A_31 : vector<16xi32>
      %swap3A_33 = arith.constant 32 : index
      %swap3A_34 = tpu.vector_load %arg11[%swap3A_33] {strides = array<i32>} : memref<48xi32, #tpu.memory_space<vmem>>, vector<16xi32>,
      tpu.vector_store %arg11[%swap3A_33], %add3A_32 {strides = array<i32>} : memref<48xi32, #tpu.memory_space<vmem>>, vector<16xi32>,
      %get3A_35 = arith.constant 16 : index
      %get3A_36 = tpu.vector_load %arg19[%get3A_35] {strides = array<i32>} : memref<48xi32, #tpu.memory_space<vmem>>, vector<16xi32>,
      %slice3A_37 = vector.extract_strided_slice %get3A_36 {offsets = [0], sizes = [1], strides = [1]} : vector<16xi32> to vector<1xi32>
      %squeeze3A_38 = vector.extract %slice3A_37[0] : i32 from vector<1xi32>
      %mul3A_39 = arith.constant 48 : i32
      %mul3A_40 = arith.muli %arg1, %mul3A_39 : i32
      %add3A_41 = arith.addi %squeeze3A_38, %mul3A_40 : i32
      %add3A_42 = vector.broadcast %add3A_41 : i32 to vector<16xi32>
      %add3A_43 = arith.addi %add3A_42, %iota3A : vector<16xi32>
      %add3A_44 = arith.constant 0 : i32
      %add3A_45 = vector.broadcast %add3A_44 : i32 to vector<16xi32>
      %add3A_46 = arith.addi %add3A_43, %add3A_45 : vector<16xi32>
      %swap3A_47 = arith.constant 0 : index
      %swap3A_48 = tpu.vector_load %arg12[%swap3A_47] {strides = array<i32>} : memref<48xi32, #tpu.memory_space<vmem>>, vector<16xi32>,
      tpu.vector_store %arg12[%swap3A_47], %add3A_46 {strides = array<i32>} : memref<48xi32, #tpu.memory_space<vmem>>, vector<16xi32>,
      %mul3A_49 = arith.constant 48 : i32
      %mul3A_50 = arith.muli %arg1, %mul3A_49 : i32
      %add3A_51 = arith.addi %squeeze3A_38, %mul3A_50 : i32
      %add3A_52 = vector.broadcast %add3A_51 : i32 to vector<16xi32>
      %add3A_53 = arith.addi %add3A_52, %iota3A : vector<16xi32>
      %add3A_54 = arith.constant 16 : i32
      %add3A_55 = vector.broadcast %add3A_54 : i32 to vector<16xi32>
      %add3A_56 = arith.addi %add3A_53, %add3A_55 : vector<16xi32>
      %swap3A_57 = arith.constant 16 : index
      %swap3A_58 = tpu.vector_load %arg12[%swap3A_57] {strides = array<i32>} : memref<48xi32, #tpu.memory_space<vmem>>, vector<16xi32>,
      tpu.vector_store %arg12[%swap3A_57], %add3A_56 {strides = array<i32>} : memref<48xi32, #tpu.memory_space<vmem>>, vector<16xi32>,
      %mul3A_59 = arith.constant 48 : i32
      %mul3A_60 = arith.muli %arg1, %mul3A_59 : i32
      %add3A_61 = arith.addi %squeeze3A_38, %mul3A_60 : i32
      %add3A_62 = vector.broadcast %add3A_61 : i32 to vector<16xi32>
      %add3A_63 = arith.addi %add3A_62, %iota3A : vector<16xi32>
      %add3A_64 = arith.constant 32 : i32
      %add3A_65 = vector.broadcast %add3A_64 : i32 to vector<16xi32>
      %add3A_66 = arith.addi %add3A_63, %add3A_65 : vector<16xi32>
      %swap3A_67 = arith.constant 32 : index
      %swap3A_68 = tpu.vector_load %arg12[%swap3A_67] {strides = array<i32>} : memref<48xi32, #tpu.memory_space<vmem>>, vector<16xi32>,
      tpu.vector_store %arg12[%swap3A_67], %add3A_66 {strides = array<i32>} : memref<48xi32, #tpu.memory_space<vmem>>, vector<16xi32>,
      %get3A_69 = arith.constant 32 : index
      %get3A_70 = tpu.vector_load %arg19[%get3A_69] {strides = array<i32>} : memref<48xi32, #tpu.memory_space<vmem>>, vector<16xi32>,
      %slice3A_71 = vector.extract_strided_slice %get3A_70 {offsets = [0], sizes = [1], strides = [1]} : vector<16xi32> to vector<1xi32>
      %squeeze3A_72 = vector.extract %slice3A_71[0] : i32 from vector<1xi32>
      %mul3A_73 = arith.constant 48 : i32
      %mul3A_74 = arith.muli %arg1, %mul3A_73 : i32
      %add3A_75 = arith.addi %squeeze3A_72, %mul3A_74 : i32
      %add3A_76 = vector.broadcast %add3A_75 : i32 to vector<16xi32>
      %add3A_77 = arith.addi %add3A_76, %iota3A : vector<16xi32>
      %add3A_78 = arith.constant 0 : i32
      %add3A_79 = vector.broadcast %add3A_78 : i32 to vector<16xi32>
      %add3A_80 = arith.addi %add3A_77, %add3A_79 : vector<16xi32>
      %swap3A_81 = arith.constant 0 : index
      %swap3A_82 = tpu.vector_load %arg13[%swap3A_81] {strides = array<i32>} : memref<48xi32, #tpu.memory_space<vmem>>, vector<16xi32>,
      tpu.vector_store %arg13[%swap3A_81], %add3A_80 {strides = array<i32>} : memref<48xi32, #tpu.memory_space<vmem>>, vector<16xi32>,
      %mul3A_83 = arith.constant 48 : i32
      %mul3A_84 = arith.muli %arg1, %mul3A_83 : i32
      %add3A_85 = arith.addi %squeeze3A_72, %mul3A_84 : i32
      %add3A_86 = vector.broadcast %add3A_85 : i32 to vector<16xi32>
      %add3A_87 = arith.addi %add3A_86, %iota3A : vector<16xi32>
      %add3A_88 = arith.constant 16 : i32
      %add3A_89 = vector.broadcast %add3A_88 : i32 to vector<16xi32>
      %add3A_90 = arith.addi %add3A_87, %add3A_89 : vector<16xi32>
      %swap3A_91 = arith.constant 16 : index
      %swap3A_92 = tpu.vector_load %arg13[%swap3A_91] {strides = array<i32>} : memref<48xi32, #tpu.memory_space<vmem>>, vector<16xi32>,
      tpu.vector_store %arg13[%swap3A_91], %add3A_90 {strides = array<i32>} : memref<48xi32, #tpu.memory_space<vmem>>, vector<16xi32>,
      %mul3A_93 = arith.constant 48 : i32
      %mul3A_94 = arith.muli %arg1, %mul3A_93 : i32
      %add3A_95 = arith.addi %squeeze3A_72, %mul3A_94 : i32
      %add3A_96 = vector.broadcast %add3A_95 : i32 to vector<16xi32>
      %add3A_97 = arith.addi %add3A_96, %iota3A : vector<16xi32>
      %add3A_98 = arith.constant 32 : i32
      %add3A_99 = vector.broadcast %add3A_98 : i32 to vector<16xi32>
      %add3A_100 = arith.addi %add3A_97, %add3A_99 : vector<16xi32>
      %swap3A_101 = arith.constant 32 : index
      %swap3A_102 = tpu.vector_load %arg13[%swap3A_101] {strides = array<i32>} : memref<48xi32, #tpu.memory_space<vmem>>, vector<16xi32>,
      tpu.vector_store %arg13[%swap3A_101], %add3A_100 {strides = array<i32>} : memref<48xi32, #tpu.memory_space<vmem>>, vector<16xi32>,
      %dma_start3A = arith.constant 0 : i32
      %dma_start3A_103 = arith.constant 0 : i32
      %dma_start3A_104 = tpu.memref_slice %arg2[%dma_start3A, %dma_start3A_103] : memref<135168x768xf32, #tpu.memory_space<hbm>> -> memref<135168x768xf32, #tpu.memory_space<hbm>>
      tpu.enqueue_indirect_dma source(%dma_start3A_104 : memref<135168x768xf32, #tpu.memory_space<hbm>>) target(%arg21 : memref<48x768xf32, #tpu.memory_space<vmem>>) offsets(%arg11 : memref<48xi32, #tpu.memory_space<vmem>>) semaphore(%arg22 : memref<!tpu.dma_semaphore, #tpu.memory_space<semaphore_mem>>)
      %dma_start3A_105 = arith.constant 0 : i32
      %dma_start3A_106 = arith.constant 0 : i32
      %dma_start3A_107 = tpu.memref_slice %arg14[%dma_start3A_105, %dma_start3A_106] : memref<48x768xf32, #tpu.memory_space<vmem>> -> memref<48x768xf32, #tpu.memory_space<vmem>>
      %dma_start3A_108 = arith.constant 0 : i32
      %dma_start3A_109 = arith.constant 0 : i32
      %dma_start3A_110 = tpu.memref_slice %arg2[%dma_start3A_108, %dma_start3A_109] : memref<135168x768xf32, #tpu.memory_space<hbm>> -> memref<135168x768xf32, #tpu.memory_space<hbm>>
      tpu.enqueue_indirect_dma source(%dma_start3A_110 : memref<135168x768xf32, #tpu.memory_space<hbm>>) target(%dma_start3A_107 : memref<48x768xf32, #tpu.memory_space<vmem>>) offsets(%arg12 : memref<48xi32, #tpu.memory_space<vmem>>) semaphore(%arg23 : memref<!tpu.dma_semaphore, #tpu.memory_space<semaphore_mem>>)
      %dma_wait3A = arith.constant 0 : i32
      %dma_wait3A_111 = arith.constant 0 : i32
      %dma_wait3A_112 = tpu.memref_slice %arg2[%dma_wait3A, %dma_wait3A_111] : memref<135168x768xf32, #tpu.memory_space<hbm>> -> memref<135168x768xf32, #tpu.memory_space<hbm>>
      tpu.wait_indirect_dma semaphore(%arg22 : memref<!tpu.dma_semaphore, #tpu.memory_space<semaphore_mem>>) src(%dma_wait3A_112 : memref<135168x768xf32, #tpu.memory_space<hbm>>) dst(%arg21 : memref<48x768xf32, #tpu.memory_space<vmem>>)
      %mul3A_113 = arith.constant 3 : i32
      %mul3A_114 = arith.muli %arg0, %mul3A_113 : i32
      %add3A_115 = arith.constant 0 : i32
      %add3A_116 = arith.addi %mul3A_114, %add3A_115 : i32
      %mul3A_117 = arith.constant 576 : i32
      %mul3A_118 = arith.muli %add3A_116, %mul3A_117 : i32
      %mul3A_119 = arith.constant 48 : i32
      %mul3A_120 = arith.muli %arg1, %mul3A_119 : i32
      %add3A_121 = arith.addi %mul3A_118, %mul3A_120 : i32
      %dma_start3A_122 = arith.constant 0 : i32
      %dma_start3A_123 = tpu.memref_slice %arg8[%add3A_121, %dma_start3A_122] : memref<3456x768xf32, #tpu.memory_space<hbm>> -> memref<48x768xf32, #tpu.memory_space<hbm>>
      %dma_start3A_124 = arith.constant 0 : i32
      %dma_start3A_125 = tpu.memref_slice %arg8[%add3A_121, %dma_start3A_124] : memref<3456x768xf32, #tpu.memory_space<hbm>> -> memref<48x768xf32, #tpu.memory_space<hbm>>
      tpu.enqueue_dma source(%arg21 : memref<48x768xf32, #tpu.memory_space<vmem>>) target(%dma_start3A_125 : memref<48x768xf32, #tpu.memory_space<hbm>>) target_semaphore(%arg24 : memref<!tpu.dma_semaphore, #tpu.memory_space<semaphore_mem>>)
      %dma_wait3A_126 = arith.constant 0 : i32
      %dma_wait3A_127 = arith.constant 0 : i32
      %dma_wait3A_128 = tpu.memref_slice %arg14[%dma_wait3A_126, %dma_wait3A_127] : memref<48x768xf32, #tpu.memory_space<vmem>> -> memref<48x768xf32, #tpu.memory_space<vmem>>
      %dma_wait3A_129 = arith.constant 0 : i32
      %dma_wait3A_130 = arith.constant 0 : i32
      %dma_wait3A_131 = tpu.memref_slice %arg2[%dma_wait3A_129, %dma_wait3A_130] : memref<135168x768xf32, #tpu.memory_space<hbm>> -> memref<135168x768xf32, #tpu.memory_space<hbm>>
      tpu.wait_indirect_dma semaphore(%arg23 : memref<!tpu.dma_semaphore, #tpu.memory_space<semaphore_mem>>) src(%dma_wait3A_131 : memref<135168x768xf32, #tpu.memory_space<hbm>>) dst(%dma_wait3A_128 : memref<48x768xf32, #tpu.memory_space<vmem>>)
      %mul3A_132 = arith.constant 3 : i32
      %mul3A_133 = arith.muli %arg0, %mul3A_132 : i32
      %add3A_134 = arith.constant 1 : i32
      %add3A_135 = arith.addi %mul3A_133, %add3A_134 : i32
      %mul3A_136 = arith.constant 576 : i32
      %mul3A_137 = arith.muli %add3A_135, %mul3A_136 : i32
      %mul3A_138 = arith.constant 48 : i32
      %mul3A_139 = arith.muli %arg1, %mul3A_138 : i32
      %add3A_140 = arith.addi %mul3A_137, %mul3A_139 : i32
      %dma_start3A_141 = arith.constant 0 : i32
      %dma_start3A_142 = arith.constant 0 : i32
      %dma_start3A_143 = tpu.memref_slice %arg14[%dma_start3A_141, %dma_start3A_142] : memref<48x768xf32, #tpu.memory_space<vmem>> -> memref<48x768xf32, #tpu.memory_space<vmem>>
      %dma_start3A_144 = arith.constant 0 : i32
      %dma_start3A_145 = tpu.memref_slice %arg8[%add3A_140, %dma_start3A_144] : memref<3456x768xf32, #tpu.memory_space<hbm>> -> memref<48x768xf32, #tpu.memory_space<hbm>>
      %dma_start3A_146 = arith.constant 0 : i32
      %dma_start3A_147 = tpu.memref_slice %arg8[%add3A_140, %dma_start3A_146] : memref<3456x768xf32, #tpu.memory_space<hbm>> -> memref<48x768xf32, #tpu.memory_space<hbm>>
      %dma_start3A_148 = arith.constant 0 : i32
      %dma_start3A_149 = arith.constant 0 : i32
      %dma_start3A_150 = tpu.memref_slice %arg14[%dma_start3A_148, %dma_start3A_149] : memref<48x768xf32, #tpu.memory_space<vmem>> -> memref<48x768xf32, #tpu.memory_space<vmem>>
      tpu.enqueue_dma source(%dma_start3A_150 : memref<48x768xf32, #tpu.memory_space<vmem>>) target(%dma_start3A_147 : memref<48x768xf32, #tpu.memory_space<hbm>>) target_semaphore(%arg25 : memref<!tpu.dma_semaphore, #tpu.memory_space<semaphore_mem>>)
      %dma_wait3A_151 = arith.constant 0 : i32
      %dma_wait3A_152 = tpu.memref_slice %arg8[%add3A_121, %dma_wait3A_151] : memref<3456x768xf32, #tpu.memory_space<hbm>> -> memref<48x768xf32, #tpu.memory_space<hbm>>
      %dma_wait3A_153 = arith.constant 0 : i32
      %dma_wait3A_154 = tpu.memref_slice %arg8[%add3A_121, %dma_wait3A_153] : memref<3456x768xf32, #tpu.memory_space<hbm>> -> memref<48x768xf32, #tpu.memory_space<hbm>>
      tpu.wait_dma2 semaphore(%arg24 : memref<!tpu.dma_semaphore, #tpu.memory_space<semaphore_mem>>) src(%arg21 : memref<48x768xf32, #tpu.memory_space<vmem>>) dst(%dma_wait3A_154 : memref<48x768xf32, #tpu.memory_space<hbm>>)
      %dma_start3A_155 = arith.constant 0 : i32
      %dma_start3A_156 = arith.constant 0 : i32
      %dma_start3A_157 = tpu.memref_slice %arg2[%dma_start3A_155, %dma_start3A_156] : memref<135168x768xf32, #tpu.memory_space<hbm>> -> memref<135168x768xf32, #tpu.memory_space<hbm>>
      tpu.enqueue_indirect_dma source(%dma_start3A_157 : memref<135168x768xf32, #tpu.memory_space<hbm>>) target(%arg21 : memref<48x768xf32, #tpu.memory_space<vmem>>) offsets(%arg13 : memref<48xi32, #tpu.memory_space<vmem>>) semaphore(%arg22 : memref<!tpu.dma_semaphore, #tpu.memory_space<semaphore_mem>>)
      %dma_wait3A_158 = arith.constant 0 : i32
      %dma_wait3A_159 = arith.constant 0 : i32
      %dma_wait3A_160 = tpu.memref_slice %arg2[%dma_wait3A_158, %dma_wait3A_159] : memref<135168x768xf32, #tpu.memory_space<hbm>> -> memref<135168x768xf32, #tpu.memory_space<hbm>>
      tpu.wait_indirect_dma semaphore(%arg22 : memref<!tpu.dma_semaphore, #tpu.memory_space<semaphore_mem>>) src(%dma_wait3A_160 : memref<135168x768xf32, #tpu.memory_space<hbm>>) dst(%arg21 : memref<48x768xf32, #tpu.memory_space<vmem>>)
      %mul3A_161 = arith.constant 3 : i32
      %mul3A_162 = arith.muli %arg0, %mul3A_161 : i32
      %add3A_163 = arith.constant 2 : i32
      %add3A_164 = arith.addi %mul3A_162, %add3A_163 : i32
      %mul3A_165 = arith.constant 576 : i32
      %mul3A_166 = arith.muli %add3A_164, %mul3A_165 : i32
      %mul3A_167 = arith.constant 48 : i32
      %mul3A_168 = arith.muli %arg1, %mul3A_167 : i32
      %add3A_169 = arith.addi %mul3A_166, %mul3A_168 : i32
      %dma_start3A_170 = arith.constant 0 : i32
      %dma_start3A_171 = tpu.memref_slice %arg8[%add3A_169, %dma_start3A_170] : memref<3456x768xf32, #tpu.memory_space<hbm>> -> memref<48x768xf32, #tpu.memory_space<hbm>>
      %dma_start3A_172 = arith.constant 0 : i32
      %dma_start3A_173 = tpu.memref_slice %arg8[%add3A_169, %dma_start3A_172] : memref<3456x768xf32, #tpu.memory_space<hbm>> -> memref<48x768xf32, #tpu.memory_space<hbm>>
      tpu.enqueue_dma source(%arg21 : memref<48x768xf32, #tpu.memory_space<vmem>>) target(%dma_start3A_173 : memref<48x768xf32, #tpu.memory_space<hbm>>) target_semaphore(%arg24 : memref<!tpu.dma_semaphore, #tpu.memory_space<semaphore_mem>>)
      %dma_wait3A_174 = arith.constant 0 : i32
      %dma_wait3A_175 = arith.constant 0 : i32
      %dma_wait3A_176 = tpu.memref_slice %arg14[%dma_wait3A_174, %dma_wait3A_175] : memref<48x768xf32, #tpu.memory_space<vmem>> -> memref<48x768xf32, #tpu.memory_space<vmem>>
      %dma_wait3A_177 = arith.constant 0 : i32
      %dma_wait3A_178 = tpu.memref_slice %arg8[%add3A_140, %dma_wait3A_177] : memref<3456x768xf32, #tpu.memory_space<hbm>> -> memref<48x768xf32, #tpu.memory_space<hbm>>
      %dma_wait3A_179 = arith.constant 0 : i32
      %dma_wait3A_180 = tpu.memref_slice %arg8[%add3A_140, %dma_wait3A_179] : memref<3456x768xf32, #tpu.memory_space<hbm>> -> memref<48x768xf32, #tpu.memory_space<hbm>>
      %dma_wait3A_181 = arith.constant 0 : i32
      %dma_wait3A_182 = arith.constant 0 : i32
      %dma_wait3A_183 = tpu.memref_slice %arg14[%dma_wait3A_181, %dma_wait3A_182] : memref<48x768xf32, #tpu.memory_space<vmem>> -> memref<48x768xf32, #tpu.memory_space<vmem>>
      tpu.wait_dma2 semaphore(%arg25 : memref<!tpu.dma_semaphore, #tpu.memory_space<semaphore_mem>>) src(%dma_wait3A_183 : memref<48x768xf32, #tpu.memory_space<vmem>>) dst(%dma_wait3A_180 : memref<48x768xf32, #tpu.memory_space<hbm>>)
      %dma_wait3A_184 = arith.constant 0 : i32
      %dma_wait3A_185 = tpu.memref_slice %arg8[%add3A_169, %dma_wait3A_184] : memref<3456x768xf32, #tpu.memory_space<hbm>> -> memref<48x768xf32, #tpu.memory_space<hbm>>
      %dma_wait3A_186 = arith.constant 0 : i32
      %dma_wait3A_187 = tpu.memref_slice %arg8[%add3A_169, %dma_wait3A_186] : memref<3456x768xf32, #tpu.memory_space<hbm>> -> memref<48x768xf32, #tpu.memory_space<hbm>>
      tpu.wait_dma2 semaphore(%arg24 : memref<!tpu.dma_semaphore, #tpu.memory_space<semaphore_mem>>) src(%arg21 : memref<48x768xf32, #tpu.memory_space<vmem>>) dst(%dma_wait3A_187 : memref<48x768xf32, #tpu.memory_space<hbm>>)
    } else {
    }
    return
  }
}

</mosaic_0001>

<sc_bundles>
// kernel: kernel.3.cloned.1.call-start
scs
__scs_entry_jumppad:
0x0: {  	(pc) =	sbr.rel $0x88, $3  }
0x1: {  	(tag) =	ssettag $0x0;
	lr =	simm.s32 $0x1  }
0x2: {  	[smem:$0x3F9D] =	sst lr;
	_ =	strace $0xD0000000  }
0x3: {  	_ = 	snop  }
0x4: {  	_ = 	snop  }
0x5: {  	_ = 	snop  }
0x6: {  	_ = 	snop  }
0x7: {  	_ = 	snop  }
__scs_overlays_trampoline_lowered:
0x8: {  	[smem:$0x3FAC] =	sst s0  }
0x9: {  	[smem:$0x3FAD] =	sst s1  }
0xa: {  	[smem:$0x3FAE] =	sst s2  }
0xb: {  	[smem:$0x3FAF] =	sst s3  }
0xc: {  	[smem:$0x3FB0] =	sst s4  }
0xd: {  	[smem:$0x3FB1] =	sst s5  }
0xe: {  	[smem:$0x3FB2] =	sst s6  }
0xf: {  	[smem:$0x3FB3] =	sst s7  }
0x10: {  	[smem:$0x3FB4] =	sst s8  }
0x11: {  	[smem:$0x3FB5] =	sst s9;
	s0 =	simm.s32 @!p0 $0x0  }
0x12: {  	s1 =	sld [smem:$0x3F9B];
	s0 =	simm.s32 @p0 $0x1  }
0x13: {  	[smem:$0x3FB6] =	sst s0;
	s0 =	simm.s32 @!p1 $0x0  }
0x14: {  	s2 =	sld [smem:$0x3F9A];
	s0 =	simm.s32 @p1 $0x1  }
0x15: {  	[smem:$0x3FB7] =	sst s0;
	s0 =	simm.s32 @!p2 $0x0  }
0x16: {  	s3 =	sld [smem:$0x3FDB];
	s0 =	simm.s32 @p2 $0x1  }
0x17: {  	s4 =	simm.s32 $0x1BF5;
	[smem:$0x3FB9] =	sst s0  }
0x18: {  	s0 =	sld [smem:$0x3F9C];
	_ =	swait.ge [sflag:s4], $0x0  }
0x19: {  	s7 =	sld [smem:$0x3F9D]  }
0x1a: {  	s8 =	sadd.s32 $0xFFFFE003, lr  }
0x1b: {  	s9 =	sadd.s32 $0xFFFFFEF7, lr;
	s5 =	simm.s32 $0xFFFFFFFF;
	p2 =	slt.u32 s8, $0xFFFFF086  }
0x1c: {  	p1 =	slt.u32 s9, $0xF7A;
	s5 =	simm.s32 @!p2 $0x0  }
0x1d: {  	s5 =	simm.s32 @p1 $0x1;
	p0 =	seq.s32 s7, s2  }
0x1e: {  	s7 =	smul.u32 @!p0 $0xF7A, s2;
	p2 =	seq.s32 @!p0 s5, $0x0  }
0x1f: {  	s9 =	smul.u32 $0xF7A, s1;
	s8 =	simm.s32 @!p0 $0x1BF5;
	p2 =	por !p2, p0  }
0x20: {  	[sflag:s8] =	ssyncset.s32 @!p0 $0xFFFFF086;
	s6 =	sadd.s32 @!p0 s3, s7;
	s7 =	simm.s32 @!p0 $0x108  }
0x21: {  	s3 =	sadd.s32 s3, s9;
	s6 =	sadd.s32 @!p0 $0x88, s6;
	s7 =	simm.s32 @p2 $0x1082  }
0x22: {  	[simem:s7], [sflag:s8] =	dma.local @!p0 [hbm:s6], $0xF7A  }
0x23: {  	s9 =	sor.u32 $0xD0000000, s2;
	s6 =	simm.s32 $0x108;
	_ =	swait.ge @!p0 [sflag:s8], $0x0  }
0x24: {  	s3 =	sadd.s32 $0x88, s3;
	s6 =	simm.s32 @!p1 $0x1082;
	[sflag:s4] =	ssyncset.s32 $0xFFFFF086  }
0x25: {  	[simem:s6], [sflag:s4] =	dma.local [hbm:s3], $0xF7A  }
0x26: {  	[smem:$0x3F9D] =	sst s1;
	(tag) =	ssettag s2;
	_ =	strace s9  }
0x27: {  	s1 =	sld [smem:$0x3FAD]  }
0x28: {  	s2 =	sld [smem:$0x3FAE]  }
0x29: {  	s4 =	sld [smem:$0x3FB0]  }
0x2a: {  	p0 =	seq.s32 s5, $0x0;
	s5 =	sld [smem:$0x3FB1]  }
0x2b: {  	s6 =	sld [smem:$0x3FB2]  }
0x2c: {  	s7 =	sld [smem:$0x3FB3]  }
0x2d: {  	s3 =	simm.s32 $0x108;
	s8 =	sld [smem:$0x3FB4]  }
0x2e: {  	s3 =	simm.s32 @!p0 $0x1082;
	s9 =	sld [smem:$0x3FB5]  }
0x2f: {  	lr =	sadd.s32 s0, s3;
	s0 =	sld [smem:$0x3FAC]  }
0x30: {  	s3 =	sld [smem:$0x3FAF]  }
0x31: {  	[smem:$0x3FB8] =	sst s10  }
0x32: {  	s10 =	sld [smem:$0x3FB6];
	_ =	sdelay $0x3  }
0x33: {  	p0 =	seq.s32 s10, $0x1;
	s10 =	sld [smem:$0x3FB8];
	_ =	sdelay $0x3  }
0x34: {  	[smem:$0x3FB8] =	sst s10  }
0x35: {  	s10 =	sld [smem:$0x3FB7];
	_ =	sdelay $0x3  }
0x36: {  	p1 =	seq.s32 s10, $0x1;
	s10 =	sld [smem:$0x3FB8];
	_ =	sdelay $0x3  }
0x37: {  	[smem:$0x3FB8] =	sst s10  }
0x38: {  	s10 =	sld [smem:$0x3FB9]  }
0x39: {  	_ = 	snop;
	(pc) =	sbr.ind lr, $3  }
0x3a: {  	_ = 	snop  }
0x3b: {  	_ = 	snop  }
0x3c: {  	p2 =	seq.s32 s10, $0x1;
	s10 =	sld [smem:$0x3FB8]  }
0x3d: {  	_ =	shalt  }
0x3e: {  	_ =	shalt  }
0x3f: {  	_ =	shalt  }
0x40: {  	_ =	shalt  }
0x41: {  	_ =	shalt  }
0x42: {  	_ =	shalt  }
0x43: {  	_ =	shalt  }
0x44: {  	_ =	shalt  }
0x45: {  	_ =	shalt  }
0x46: {  	_ =	shalt  }
0x47: {  	_ =	shalt  }
0x48: {  	_ =	shalt  }
0x49: {  	_ =	shalt  }
0x4a: {  	_ =	shalt  }
0x4b: {  	_ =	shalt  }
0x4c: {  	_ =	shalt  }
0x4d: {  	_ =	shalt  }
0x4e: {  	_ =	shalt  }
0x4f: {  	_ =	shalt  }
0x50: {  	_ =	shalt  }
0x51: {  	_ =	shalt  }
0x52: {  	_ =	shalt  }
0x53: {  	_ =	shalt  }
0x54: {  	_ =	shalt  }
0x55: {  	_ =	shalt  }
0x56: {  	_ =	shalt  }
0x57: {  	_ =	shalt  }
0x58: {  	_ =	shalt  }
0x59: {  	_ =	shalt  }
0x5a: {  	_ =	shalt  }
0x5b: {  	_ =	shalt  }
0x5c: {  	_ =	shalt  }
0x5d: {  	_ =	shalt  }
0x5e: {  	_ =	shalt  }
0x5f: {  	_ =	shalt  }
0x60: {  	_ =	shalt  }
0x61: {  	_ =	shalt  }
0x62: {  	_ =	shalt  }
0x63: {  	_ =	shalt  }
0x64: {  	_ =	shalt  }
0x65: {  	_ =	shalt  }
0x66: {  	_ =	shalt  }
0x67: {  	_ =	shalt  }
0x68: {  	_ =	shalt  }
0x69: {  	_ =	shalt  }
0x6a: {  	_ =	shalt  }
0x6b: {  	_ =	shalt  }
0x6c: {  	_ =	shalt  }
0x6d: {  	_ =	shalt  }
0x6e: {  	_ =	shalt  }
0x6f: {  	_ =	shalt  }
0x70: {  	_ =	shalt  }
0x71: {  	_ =	shalt  }
0x72: {  	_ =	shalt  }
0x73: {  	_ =	shalt  }
0x74: {  	_ =	shalt  }
0x75: {  	_ =	shalt  }
0x76: {  	_ =	shalt  }
0x77: {  	_ =	shalt  }
0x78: {  	_ =	shalt  }
0x79: {  	_ =	shalt  }
0x7a: {  	_ =	shalt  }
0x7b: {  	_ =	shalt  }
0x7c: {  	_ =	shalt  }
0x7d: {  	_ =	shalt  }
0x7e: {  	_ =	shalt  }
0x7f: {  	_ =	shalt  }
0x80: {  	_ =	shalt  }
0x81: {  	_ =	shalt  }
0x82: {  	_ =	shalt  }
0x83: {  	_ =	shalt  }
0x84: {  	_ =	shalt  }
0x85: {  	_ =	shalt  }
0x86: {  	_ =	shalt  }
0x87: {  	_ =	shalt  }
.Lfunc_end0:
.L_simem_size_0:
called_computation_lowered:
.L_overlay_start_0:
0x88: {  	s2 =	sld [smem:$0x3FD9]  }
0x89: {  	s3 =	sld [smem:$0x3FFE];
	_ =	sdelay $0x1  }
0x8a: {  	s1 =	srdreg.scid  }
0x8b: {  	s0 =	sand.u32 $0x1, s1  }
0x8c: {  	s14 =	sshll.u32 s0, $0xA;
	s2 =	sadd.s32 s3, s2  }
0x8d: {  	s2 =	sadd.s32 s2, s14  }
0x8e: {  	[smem:$0x3FC4] =	sst s2  }
0x8f: {  	_ = 	snop  }
0x90: {  	s2 =	sld [smem:$0x3FD0];
	_ =	sdelay $0x1  }
0x91: {  	s15 =	sld [smem:$0x3FC9]  }
0x92: {  	s5 =	simm.s32 $0xA;
	s6 =	simm.s32 $0x10;
	s4 =	sld [smem:$0x3FC8]  }
0x93: {  	[smem:s6], [sflag:s5] =	dma.local [hbm:s2], $0x1  }
0x94: {  	_ =	swait.eq [sflag:s5], $0x1  }
0x95: {  	s16 =	sld [smem:$0x10];
	[sflag:s5] =	ssyncset.done $0x0  }
0x96: {  	s17 =	sld [smem:$0x11];
	[sflag:s5] =	ssyncadd.s32 $0xFFFFFFFF  }
0x97: {  	s18 =	sld [smem:$0x12];
	(tm) =	ssettm $0x1  }
0x98: {  	s7 =	sld [smem:$0x3FFB];
	_ =	sdelay $0x3  }
0x99: {  	_ =	strace s7  }
0x9a: {  	s7 =	sld [smem:$0x3FFC];
	_ =	sdelay $0x3  }
0x9b: {  	_ =	strace s7  }
0x9c: {  	s7 =	sld [smem:$0x3FFD];
	_ =	sdelay $0x3  }
0x9d: {  	_ =	strace s7  }
0x9e: {  	_ =	strace $0x8FFFFFFF  }
0x9f: {  	s19 =	sld [smem:$0x3FDB];
	_ =	sdelay $0x1  }
0xa0: {  	s8 =	simm.s32 $_scs_section_size  }
0xa1: {  	s9 =	simm.s32 $_size__tile_overlayer_lowered;
	s10 =	simm.s32 $_tile_overlayer_lowered  }
0xa2: {  	s22 =	simm.s32 $0x1BFF;
	s21 =	sshll.u32 s10, $0x1;
	s7 =	sadd.s32 s8, s19  }
0xa3: {  	s11 =	simm.s32 $0x0;
	s20 =	sshll.u32 s9, $0x1;
	s9 =	sadd.s32 s21, s7  }
0xa4: {  	[timem:s11], [sflag:s22] =	dma.local [hbm:s9], s20  }
0xa5: {  	_ =	swait.ge [sflag:s22], s20  }
0xa6: {  	s8 =	ssub.s32 $0x0, s20;
	[sflag:s22] =	ssyncset.done $0x0  }
0xa7: {  	[sflag:s22] =	ssyncadd.s32 s8;
	_ =	sdelay $0x1  }
0xa8: {  	s23 =	simm.s32 $0x1B8B  }
0xa9: {  	_ =	swait.ge [sflag:s23], $0x1  }
0xaa: {  	[sflag:s23] =	ssyncset.done $0x0  }
0xab: {  	s25 =	simm.s32 $0x1B8E;
	s24 =	sld [smem:$0x3FFE];
	[sflag:s23] =	ssyncadd.s32 $0xFFFFFFFF  }
0xac: {  	s26 =	simm.s32 $execute0_lowered;
	[smem:$0x3FD2] =	sst s25  }
0xad: {  	s9 =	sshll.u32 s26, $0x1;
	_ =	strace $0x80000046;
	[dreg:$0x1] =	wrdreg $0xFFFFFFFF  }
0xae: {  	s28 =	simm.s32 $_size_execute0_lowered;
	s7 =	sadd.s32 s7, s9;
	[dreg:$0x0] =	wrdreg $0x0  }
0xaf: {  	s9 =	sshll.u32 s28, $0x1;
	[dreg:$0x2] =	wrdreg s7  }
0xb0: {  	[dreg:$0x3] =	wrdreg s9  }
0xb1: {  	[dreg:$0x4] =	wrdreg $0xC0  }
0xb2: {  	_ =	task [dreg:s11], $0x5FFFF  }
0xb3: {  	[dreg:$0x1] =	wrdreg $0xFFFFFFFF  }
0xb4: {  	[dreg:$0x0] =	wrdreg $0x60  }
0xb5: {  	[dreg:$0x2] =	wrdreg s15  }
0xb6: {  	[dreg:$0x3] =	wrdreg s4  }
0xb7: {  	[dreg:$0x4] =	wrdreg s24  }
0xb8: {  	[dreg:$0x5] =	wrdreg s16  }
0xb9: {  	[dreg:$0x6] =	wrdreg s18  }
0xba: {  	[dreg:$0x7] =	wrdreg s17  }
0xbb: {  	[dreg:$0x8] =	wrdreg $0x116800  }
0xbc: {  	[dreg:$0x9] =	wrdreg $0x9  }
0xbd: {  	_ =	task.clear_ibuf [dreg:s11], $0xAFFFF;
	_ =	strace $0x90000046  }
0xbe: {  	s29 =	simm.s32 $0x9;
	_ =	strace $0x80000048  }
0xbf: {  	_ =	swait.ge [sflag:s29], $0x1  }
0xc0: {  	[sflag:s29] =	ssyncadd.s32 $0xFFFFFFFF  }
0xc1: {  	_ =	strace $0x90000048  }
0xc2: {  	_ =	sfence  }
0xc3: {  	s30 =	sld [smem:$0x0];
	_ =	sdelay $0x2  }
0xc4: {  	s31 =	sshll.u32 s1, $0xD;
	s1 =	sshrl.u32 s1, $0x2  }
0xc5: {  	s3 =	sand.u32 $0x4000, s31;
	s1 =	sadd.s32 s1, s30  }
0xc6: {  	s0 =	sor.u32 s3, s0;
	s1 =	sshll.u32 s1, $0x11  }
0xc7: {  	s0 =	sor.u32 s1, s0  }
0xc8: {  	s0 =	sadd.s32 $0x8F2B, s0  }
0xc9: {  	[sflag:s0] =	ssyncadd.remote.s32 $0x1  }
0xca: {  	_ =	sfence.sel $0xFFFF  }
0xcb: {  	[dreg:$0x0] =	wrdreg $0xFFFFFFFF;
	(pc) =	sbr.abs _section_cstart, $3  }
0xcc: {  	[dreg:$0x1] =	wrdreg $0xFFFFFFFF  }
0xcd: {  	_ =	task.clear_ibuf [dreg:s11], $0x2FFFF;
	_ =	strace $0x9FFFFFFF  }
0xce: {  	(tm) =	ssettm $0x7FFFFFFF  }
0xcf: {  	_ =	shalt  }
tec
execute0_lowered:
.L_overlay_start_1:
0x0: {  	(tag) =	ssettag $0x1  }
0x1: {  	s0 =	rddreg [dreg:$0x0]  }
0x2: {  	s2 =	rddreg [dreg:$0x2]  }
0x3: {  	s3 =	rddreg [dreg:$0x3]  }
0x4: {  	s4 =	rddreg [dreg:$0x4]  }
0x5: {  	s1 =	srdreg.scid;
	s7 =	rddreg [dreg:$0x5]  }
0x6: {  	s13 =	stileid.u32;
	s14 =	rddreg [dreg:$0x6];
	s21 =	simm.s32 $0x2  }
0x7: {  	s18 =	simm.s32 $0xA00;
	s19 =	simm.s32 $0x15688;
	s20 =	simm.s32 $0x15E88  }
0x8: {  	s17 =	simm.s32 $0x18E88;
	s15 =	simm.s32 $0x19688;
	s22 =	simm.s32 $0x19E88  }
0x9: {  	s1 =	sand.u32 $0x1, s1;
	s6 =	smul.u32 $0x30, s13;
	s12 =	sadd.s32 $0xA00, s2  }
0xa: {  	s28 =	sshll.u32 s13, $0x4;
	p0 =	sgt.u32 s13, $0x2;
	p1 =	seq.s32 s13, $0x1  }
0xb: {  	p2 =	seq.s32 s13, $0x0;
	p3 =	sgt.u32 s13, $0xB;
	s5 =	smul.u32 $0x3, s1  }
0xc: {  	s10 =	ssub.s32 $0x2, s1;
	s11 =	smul.u32 $0x6C0, s1;
	s25 =	sshll.u32 s1, $0x8  }
0xd: {  	s16 =	sshll.u32 s1, $0xB;
	s23 =	sshrl.u32 s10, $0x1;
	s3 =	sadd.s32 s3, s25  }
0xe: {  	s25 =	simm.s32 $0x0;
	s8 =	sadd.s32 s13, s5;
	s5 =	simm.s32 $0x0  }
0xf: {  	v0 =	vlaneseq.u32;
	s24 =	sadd.s32 s6, s11;
	s11 =	sadd.s32 $0x100, s0;
	[smem:$0x7FF] =	sst s5  }
0x10: {  	v1 =	vmul.u32 $0x1000, v0;
	s9 =	smul.u32 $0x6, s8;
	_ =	strace $0x80000047;
	[dreg:$0x8] =	wrdreg s12  }
0x11: {  	s13 =	simm.s32 $0x1;
	s8 =	smul.u32 $0x60, s8;
	[dreg:$0xa] =	wrdreg s3  }
0x12: {  	v2 =	vor.u32 $0x10000, v1;
	s12 =	sadd.s32 $0x200, s0;
	s3 =	sadd.s32 s28, s14;
	s14 =	simm.s32 $0x3  }
0x13: {  	v3 =	vmov s16;
	v1 =	vor.u32 s16, v1;
	v2 =	vor.u32 s16, v2;
	[dreg:$0x9] =	wrdreg s16;
	s16 =	simm.s32 $0x18688;
	s2 =	sadd.s32 s9, s2  }
0x14: {  	s9 =	ssub.s32 s10, s23;
	s10 =	sshrl.u32 s24, $0x3;
	s4 =	sadd.s32 s4, s8  }
0x15: {  	[dreg:$0xd] =	wrdreg s3;
	s23 =	simm.s32 $0x5;
	s8 =	simm.s32 $0x11688  }
0x16: {  	s2 =	sadd.s32 $0x800, s2;
	s26 =	smul.u32 $0x300, s10;
	[dreg:$0xc] =	wrdreg s4  }
.Ltmp0:
0x17: {  	vm0 =	vmmov $0xffff;
	s31 =	smax.u32 s9, $0x1;
	[dreg:$0xb] =	wrdreg s2;
	(pc) =	sbr.rel .LBB2_1-.Ltmp0, $4  }
0x18: {  	v5 =	vshrl.u32 v0, $0x3;
	v4 =	vand.u32 $0x7, v0;
	v6 =	vor.u32 $0x8, v0;
	s24 =	simm.s32 $0xA00;
	[dreg:$0x11] =	wrdreg s31;
	s29 =	sadd.s32 s7, s26  }
0x19: {  	v7 =	vor.u32 $0x10, v0;
	v8 =	vor.u32 $0x20, v0;
	v9 =	vor.u32 $0x80000000, v0;
	s4 =	simm.s32 $0x16688;
	s2 =	sadd.s32 $0xD800, s29;
	[dreg:$0x10] =	wrdreg s29  }
0x1a: {  	v11 =	vor.u32 $0x80000020, v0;
	v10 =	vmov s1;
	v5 =	vmul.u32 $0x8, v5;
	s9 =	simm.s32 $0x17688;
	s30 =	sadd.s32 $0x1B000, s29;
	[dreg:$0xe] =	wrdreg s2  }
0x1b: {  	vm1 =	veq.s32 v10, v0;
	v10 =	vor.u32 $0x80000010, v0;
	v3 =	vor.u32 $0x20000, v3;
	s10 =	simm.s32 $0x17E88;
	s7 =	simm.s32 $0x16E88;
	[dreg:$0xf] =	wrdreg s30  }
.LBB2_6:
0x1c: {  	v24 =	vld [tilespmem:s29+$0xA00]  }
0x1d: {  	v25 =	vld [tilespmem:s29+$0x9A00]  }
0x1e: {  	v26 =	vld [tilespmem:s29+$0xA10]  }
0x1f: {  	v27 =	vld [tilespmem:s29+$0x9A10]  }
0x20: {  	v28 =	vld [tilespmem:s29+$0xA20]  }
0x21: {  	v29 =	vld [tilespmem:s29+$0x9A20]  }
0x22: {  	v30 =	vld [tilespmem:s29+$0xA30]  }
0x23: {  	v31 =	vld [tilespmem:s29+$0x9A30]  }
0x24: {  	v33 =	vld [tilespmem:s29+$0xA40];
	v24 =	vmul.f32 v25, v24;
	v32 =	vmul.f32 v27, v26  }
0x25: {  	v34 =	vld [tilespmem:s29+$0x9A40]  }
0x26: {  	v36 =	vld [tilespmem:s29+$0xA50];
	v35 =	vmul.f32 v29, v28;
	v24 =	vadd.f32 v32, v24  }
0x27: {  	v37 =	vld [tilespmem:s29+$0x9A50]  }
0x28: {  	v39 =	vld [tilespmem:s29+$0xA60];
	v38 =	vmul.f32 v31, v30;
	v24 =	vadd.f32 v35, v24  }
0x29: {  	v40 =	vld [tilespmem:s29+$0x9A60]  }
0x2a: {  	v42 =	vld [tilespmem:s29+$0xA70];
	v41 =	vmul.f32 v34, v33;
	v24 =	vadd.f32 v38, v24  }
0x2b: {  	v43 =	vld [tilespmem:s29+$0x9A70]  }
0x2c: {  	v45 =	vld [tilespmem:s29+$0xE00];
	v44 =	vmul.f32 v37, v36;
	v24 =	vadd.f32 v41, v24  }
0x2d: {  	v46 =	vld [tilespmem:s29+$0x9E00]  }
0x2e: {  	v48 =	vld [tilespmem:s29+$0xE10];
	v47 =	vmul.f32 v40, v39;
	v24 =	vadd.f32 v44, v24  }
0x2f: {  	v49 =	vld [tilespmem:s29+$0x9E10]  }
0x30: {  	v51 =	vld [tilespmem:s29+$0xE20];
	v50 =	vmul.f32 v43, v42;
	v24 =	vadd.f32 v47, v24  }
0x31: {  	v52 =	vld [tilespmem:s29+$0x9E20]  }
0x32: {  	v54 =	vld [tilespmem:s29+$0xE30];
	v53 =	vmul.f32 v46, v45;
	v24 =	vadd.f32 v50, v24  }
0x33: {  	v55 =	vld [tilespmem:s29+$0x9E30]  }
0x34: {  	v57 =	vld [tilespmem:s29+$0xE40];
	v56 =	vmul.f32 v49, v48;
	v24 =	vadd.f32 v53, v24  }
0x35: {  	v58 =	vld [tilespmem:s29+$0x9E40]  }
0x36: {  	v60 =	vld [tilespmem:s29+$0xE50];
	v59 =	vmul.f32 v52, v51;
	v24 =	vadd.f32 v56, v24  }
0x37: {  	v61 =	vld [tilespmem:s29+$0x9E50]  }
0x38: {  	v63 =	vld [tilespmem:s29+$0xE60];
	v62 =	vmul.f32 v55, v54;
	v24 =	vadd.f32 v59, v24  }
0x39: {  	v33 =	vld [tilespmem:s29+$0x9E60]  }
0x3a: {  	v34 =	vmul.f32 v58, v57;
	v36 =	vld [tilespmem:s29+$0x9E70];
	v24 =	vadd.f32 v62, v24  }
0x3b: {  	v35 =	vld [tilespmem:s29+$0xE70]  }
0x3c: {  	v37 =	vmul.f32 v61, v60;
	v39 =	vld [tilespmem:s29+$0xA200];
	v24 =	vadd.f32 v34, v24  }
0x3d: {  	v38 =	vld [tilespmem:s29+$0x1200]  }
0x3e: {  	v42 =	vld [tilespmem:s29+$0xA210];
	v40 =	vmul.f32 v33, v63;
	v24 =	vadd.f32 v37, v24  }
0x3f: {  	v41 =	vld [tilespmem:s29+$0x1210]  }
0x40: {  	v45 =	vld [tilespmem:s29+$0xA220];
	v43 =	vmul.f32 v36, v35;
	v24 =	vadd.f32 v40, v24  }
0x41: {  	v44 =	vld [tilespmem:s29+$0x1220]  }
0x42: {  	v48 =	vld [tilespmem:s29+$0xA230];
	v46 =	vmul.f32 v39, v38;
	v24 =	vadd.f32 v43, v24  }
0x43: {  	v47 =	vld [tilespmem:s29+$0x1230]  }
0x44: {  	v51 =	vld [tilespmem:s29+$0xA240];
	v49 =	vmul.f32 v42, v41;
	v24 =	vadd.f32 v46, v24  }
0x45: {  	v50 =	vld [tilespmem:s29+$0x1240]  }
0x46: {  	v54 =	vld [tilespmem:s29+$0xA250];
	v52 =	vmul.f32 v45, v44;
	v24 =	vadd.f32 v49, v24  }
0x47: {  	v53 =	vld [tilespmem:s29+$0x1250]  }
0x48: {  	v57 =	vld [tilespmem:s29+$0xA260];
	v55 =	vmul.f32 v48, v47;
	v24 =	vadd.f32 v52, v24  }
0x49: {  	v56 =	vld [tilespmem:s29+$0x1260]  }
0x4a: {  	v60 =	vld [tilespmem:s29+$0xA270];
	v58 =	vmul.f32 v51, v50;
	v24 =	vadd.f32 v55, v24  }
0x4b: {  	v59 =	vld [tilespmem:s29+$0x1270]  }
0x4c: {  	v63 =	vld [tilespmem:s29+$0xA600];
	v61 =	vmul.f32 v54, v53;
	v24 =	vadd.f32 v58, v24  }
0x4d: {  	v62 =	vld [tilespmem:s29+$0x1600]  }
0x4e: {  	v33 =	vld [tilespmem:s29+$0x1610];
	v32 =	vmul.f32 v57, v56;
	v24 =	vadd.f32 v61, v24  }
0x4f: {  	v34 =	vld [tilespmem:s29+$0xA610]  }
0x50: {  	v36 =	vld [tilespmem:s29+$0x1620];
	v35 =	vmul.f32 v60, v59;
	v24 =	vadd.f32 v32, v24  }
0x51: {  	v37 =	vld [tilespmem:s29+$0xA620]  }
0x52: {  	v39 =	vld [tilespmem:s29+$0x1630];
	v38 =	vmul.f32 v63, v62;
	v24 =	vadd.f32 v35, v24  }
0x53: {  	v40 =	vld [tilespmem:s29+$0xA630]  }
0x54: {  	v42 =	vld [tilespmem:s29+$0x1640];
	v41 =	vmul.f32 v34, v33;
	v24 =	vadd.f32 v38, v24  }
0x55: {  	v43 =	vld [tilespmem:s29+$0xA640]  }
0x56: {  	v45 =	vld [tilespmem:s29+$0x1650];
	v44 =	vmul.f32 v37, v36;
	v24 =	vadd.f32 v41, v24  }
0x57: {  	v46 =	vld [tilespmem:s29+$0xA650]  }
0x58: {  	v48 =	vld [tilespmem:s29+$0x1660];
	v47 =	vmul.f32 v40, v39;
	v24 =	vadd.f32 v44, v24  }
0x59: {  	v49 =	vld [tilespmem:s29+$0xA660]  }
0x5a: {  	v51 =	vld [tilespmem:s29+$0x1670];
	v50 =	vmul.f32 v43, v42;
	v24 =	vadd.f32 v47, v24  }
0x5b: {  	v52 =	vld [tilespmem:s29+$0xA670]  }
0x5c: {  	v54 =	vld [tilespmem:s29+$0x1A00];
	v53 =	vmul.f32 v46, v45;
	v24 =	vadd.f32 v50, v24  }
0x5d: {  	v55 =	vld [tilespmem:s29+$0xAA00]  }
0x5e: {  	v57 =	vld [tilespmem:s29+$0x1A10];
	v56 =	vmul.f32 v49, v48;
	v24 =	vadd.f32 v53, v24  }
0x5f: {  	v58 =	vld [tilespmem:s29+$0xAA10]  }
0x60: {  	v60 =	vld [tilespmem:s29+$0x1A20];
	v59 =	vmul.f32 v52, v51;
	v24 =	vadd.f32 v56, v24  }
0x61: {  	v61 =	vld [tilespmem:s29+$0xAA20]  }
0x62: {  	v63 =	vld [tilespmem:s29+$0x1A30];
	v62 =	vmul.f32 v55, v54;
	v24 =	vadd.f32 v59, v24  }
0x63: {  	v33 =	vld [tilespmem:s29+$0xAA30]  }
0x64: {  	v36 =	vld [tilespmem:s29+$0xAA40];
	v34 =	vmul.f32 v58, v57;
	v24 =	vadd.f32 v62, v24  }
0x65: {  	v35 =	vld [tilespmem:s29+$0x1A40]  }
0x66: {  	v39 =	vld [tilespmem:s29+$0xAA50];
	v37 =	vmul.f32 v61, v60;
	v24 =	vadd.f32 v34, v24  }
0x67: {  	v38 =	vld [tilespmem:s29+$0x1A50]  }
0x68: {  	v40 =	vmul.f32 v33, v63;
	v42 =	vld [tilespmem:s29+$0xAA60];
	v24 =	vadd.f32 v37, v24  }
0x69: {  	v41 =	vld [tilespmem:s29+$0x1A60]  }
0x6a: {  	v45 =	vld [tilespmem:s29+$0xAA70];
	v43 =	vmul.f32 v36, v35;
	v24 =	vadd.f32 v40, v24  }
0x6b: {  	v44 =	vld [tilespmem:s29+$0x1A70]  }
0x6c: {  	v48 =	vld [tilespmem:s29+$0xAE00];
	v46 =	vmul.f32 v39, v38;
	v24 =	vadd.f32 v43, v24  }
0x6d: {  	v47 =	vld [tilespmem:s29+$0x1E00]  }
0x6e: {  	v51 =	vld [tilespmem:s29+$0xAE10];
	v49 =	vmul.f32 v42, v41;
	v24 =	vadd.f32 v46, v24  }
0x6f: {  	v50 =	vld [tilespmem:s29+$0x1E10]  }
0x70: {  	v54 =	vld [tilespmem:s29+$0xAE20];
	v52 =	vmul.f32 v45, v44;
	v24 =	vadd.f32 v49, v24  }
0x71: {  	v53 =	vld [tilespmem:s29+$0x1E20]  }
0x72: {  	v57 =	vld [tilespmem:s29+$0xAE30];
	v55 =	vmul.f32 v48, v47;
	v24 =	vadd.f32 v52, v24  }
0x73: {  	v56 =	vld [tilespmem:s29+$0x1E30]  }
0x74: {  	v60 =	vld [tilespmem:s29+$0xAE40];
	v58 =	vmul.f32 v51, v50;
	v24 =	vadd.f32 v55, v24  }
0x75: {  	v59 =	vld [tilespmem:s29+$0x1E40]  }
0x76: {  	v63 =	vld [tilespmem:s29+$0xAE50];
	v61 =	vmul.f32 v54, v53;
	v24 =	vadd.f32 v58, v24  }
0x77: {  	v62 =	vld [tilespmem:s29+$0x1E50]  }
0x78: {  	v33 =	vld [tilespmem:s29+$0x1E60];
	v32 =	vmul.f32 v57, v56;
	v24 =	vadd.f32 v61, v24  }
0x79: {  	v34 =	vld [tilespmem:s29+$0xAE60]  }
0x7a: {  	v38 =	vld [tilespmem:s29+$0xAE70];
	v36 =	vmul.f32 v60, v59;
	v35 =	vadd.f32 v32, v24  }
0x7b: {  	v22 =	vadd.f32 v23, v22;
	v16 =	vmul.f32 v18, v16;
	v37 =	vld [tilespmem:s29+$0x1E70]  }
0x7c: {  	v40 =	vmul.f32 v63, v62;
	v39 =	vadd.f32 v36, v35  }
0x7d: {  	v17 =	vmul.f32 v19, v17;
	v16 =	vadd.f32 v16, v22  }
0x7e: {  	v18 =	vmul.f32 v34, v33;
	v42 =	vadd.f32 v40, v39  }
0x7f: {  	v16 =	vadd.f32 v17, v16;
	v41 =	vmul.f32 v21, v20  }
0x80: {  	v44 =	vmul.f32 v38, v37;
	v43 =	vadd.f32 v18, v42  }
0x81: {  	v16 =	vadd.f32 v41, v16  }
0x82: {  	v45 =	vadd.f32 v44, v43  }
0x83: {  	(xrf2) =	vadd.scan.msk.f32 $0xffff, v16  }
0x84: {  	(xrf2) =	vadd.scan.msk.f32 $0xffff, v45;
	_ =	sdelay $0x8  }
0x85: {  	v12 =	vnsel vm1, $0x0, v12;
	v47 =	vmov s26;
	v48 =	vld [tilespmem:$0x11200];
	v46, _, _ =	vpop (xrf2)  }
0x86: {  	vm2 =	veq.s32 v47, v8;
	vm3 =	veq.s32 v47, v0;
	v50 =	vld [tilespmem:$0x11210];
	v16 =	vbroadcast v46, $0xF;
	v49, _, _ =	vpop (xrf2)  }
0x87: {  	vm4 =	veq.s32 v47, v7;
	v51 =	vmov s28;
	v52 =	vld [tilespmem:$0x11220];
	v17 =	vbroadcast v49, $0xF  }
0x88: {  	v13 =	vsel vm2, v16, v13;
	v14 =	vsel vm3, v16, v14;
	vm2 =	veq.s32 v51, v0  }
0x89: {  	vm15 =	veq.s32 v51, v7;
	v15 =	vsel vm4, v16, v15;
	v14 =	vsel vm2, v17, v14  }
0x8a: {  	vm3 =	veq.s32 v51, v8;
	v15 =	vsel vm15, v17, v15;
	v14 =	vadd.f32 v48, v14  }
0x8b: {  	(xrf0) =	vadd.scan.msk.s32 $0xffff, v12;
	v13 =	vsel vm3, v17, v13;
	v53 =	vadd.f32 v50, v15  }
0x8c: {  	v13 =	vadd.f32 v52, v13;
	(xrf0) =	vmax.scan.msk.f32 $0xffff, v14  }
0x8d: {  	(xrf0) =	vmax.scan.msk.f32 $0xffff, v53  }
0x8e: {  	(xrf0) =	vmax.scan.msk.f32 $0xffff, v13;
	_ =	sdelay $0x2  }
0x8f: {  	v54, _, _ =	vpop (xrf0)  }
0x90: {  	(v2sf) =	vpush v54, $0xF;
	v55, _, _ =	vpop (xrf0)  }
0x91: {  	(v2sf) =	vpush v55, $0xF;
	v56, _, _ =	vpop (xrf0)  }
0x92: {  	(v2sf) =	vpush v56, $0xF;
	v57, _, _ =	vpop (xrf0)  }
0x93: {  	(v2sf) =	vpush v57, $0xF;
	_ =	sdelay $0xb  }
0x94: {  	s26 =	spop (v2sf)  }
0x95: {  	s2 =	spop (v2sf)  }
0x96: {  	s3 =	spop (v2sf)  }
0x97: {  	s2 =	smax.f32 s2, s3;
	s28 =	spop (v2sf)  }
0x98: {  	s2 =	smax.f32 s2, s28  }
0x99: {  	vm2 =	vge.f32 v14, s2  }
0x9a: {  	v14 =	vnsel vm2, $0x80100000, v9;
	vm2 =	vge.f32 v53, s2  }
0x9b: {  	(xrf0) =	vmin.scan.msk.u32 $0xffff, v14;
	v12 =	vnsel vm2, $0x80100000, v10  }
0x9c: {  	vm2 =	vge.f32 v13, s2;
	(xrf0) =	vmin.scan.msk.u32 $0xffff, v12  }
0x9d: {  	v58 =	vnsel vm2, $0x80100000, v11  }
0x9e: {  	(xrf0) =	vmin.scan.msk.u32 $0xffff, v58;
	_ =	sdelay $0x2  }
0x9f: {  	v59, _, _ =	vpop (xrf0)  }
0xa0: {  	v60, _, _ =	vpop (xrf0);
	(v2sf) =	vpush v59, $0xF  }
0xa1: {  	(v2sf) =	vpush v60, $0xF  }
0xa2: {  	v61, _, _ =	vpop (xrf0)  }
0xa3: {  	(v2sf) =	vpush v61, $0xF;
	_ =	sdelay $0xb  }
0xa4: {  	s29 =	spop (v2sf)  }
0xa5: {  	s30 =	spop (v2sf)  }
0xa6: {  	s2 =	sxor.u32 $0x80000000, s29;
	s3 =	sxor.u32 $0x80000000, s30  }
0xa7: {  	s31 =	spop (v2sf);
	p4 =	slt.s32 s2, s3  }
0xa8: {  	s28 =	sxor.u32 $0x80000000, s31;
	s3 =	smov.u32 @p4 s2  }
0xa9: {  	p4 =	slt.s32 s3, s28  }
0xaa: {  	s28 =	smov.u32 @p4 s3  }
0xab: {  	s1 =	sshrl.u32 s28, $0x3  }
0xac: {  	s2 =	smul.u32 $0x6000, s1  }
0xad: {  	s3 =	sshll.u32 s28, $0x7  }
0xae: {  	s3 =	sand.u32 $0x380, s3;
	s2 =	sshra.s32 s2, $0x2  }
0xaf: {  	s2 =	sor.u32 s3, s2  }
0xb0: {  	v62 =	vld [tilespmem:s2+$0xA00];
	_ =	sdelay $0x4  }
0xb1: {  	[tilespmem:$0x11280] =	vst v62  }
0xb2: {  	v12 =	vld [tilespmem:s2+$0xA10];
	_ =	sdelay $0x4  }
0xb3: {  	[tilespmem:$0x11290] =	vst v12  }
0xb4: {  	v12 =	vld [tilespmem:s2+$0xA20];
	_ =	sdelay $0x4  }
0xb5: {  	[tilespmem:$0x112A0] =	vst v12  }
0xb6: {  	v12 =	vld [tilespmem:s2+$0xA30];
	_ =	sdelay $0x4  }
0xb7: {  	[tilespmem:$0x112B0] =	vst v12  }
0xb8: {  	v12 =	vld [tilespmem:s2+$0xA40];
	_ =	sdelay $0x4  }
0xb9: {  	[tilespmem:$0x112C0] =	vst v12  }
0xba: {  	v12 =	vld [tilespmem:s2+$0xA50];
	_ =	sdelay $0x4  }
0xbb: {  	[tilespmem:$0x112D0] =	vst v12  }
0xbc: {  	v12 =	vld [tilespmem:s2+$0xA60];
	_ =	sdelay $0x4  }
0xbd: {  	[tilespmem:$0x112E0] =	vst v12  }
0xbe: {  	v12 =	vld [tilespmem:s2+$0xA70];
	_ =	sdelay $0x4  }
0xbf: {  	[tilespmem:$0x112F0] =	vst v12  }
0xc0: {  	v12 =	vld [tilespmem:s2+$0xE00];
	_ =	sdelay $0x4  }
0xc1: {  	[tilespmem:$0x11300] =	vst v12  }
0xc2: {  	v12 =	vld [tilespmem:s2+$0xE10];
	_ =	sdelay $0x4  }
0xc3: {  	[tilespmem:$0x11310] =	vst v12  }
0xc4: {  	v12 =	vld [tilespmem:s2+$0xE20];
	_ =	sdelay $0x4  }
0xc5: {  	[tilespmem:$0x11320] =	vst v12  }
0xc6: {  	v12 =	vld [tilespmem:s2+$0xE30];
	_ =	sdelay $0x4  }
0xc7: {  	[tilespmem:$0x11330] =	vst v12  }
0xc8: {  	v12 =	vld [tilespmem:s2+$0xE40];
	_ =	sdelay $0x4  }
0xc9: {  	[tilespmem:$0x11340] =	vst v12  }
0xca: {  	v12 =	vld [tilespmem:s2+$0xE50];
	_ =	sdelay $0x4  }
0xcb: {  	[tilespmem:$0x11350] =	vst v12  }
0xcc: {  	v12 =	vld [tilespmem:s2+$0xE60];
	_ =	sdelay $0x4  }
0xcd: {  	[tilespmem:$0x11360] =	vst v12  }
0xce: {  	v12 =	vld [tilespmem:s2+$0xE70];
	_ =	sdelay $0x4  }
0xcf: {  	[tilespmem:$0x11370] =	vst v12  }
0xd0: {  	v12 =	vld [tilespmem:s2+$0x1200];
	_ =	sdelay $0x4  }
0xd1: {  	[tilespmem:$0x11380] =	vst v12  }
0xd2: {  	v12 =	vld [tilespmem:s2+$0x1210];
	_ =	sdelay $0x4  }
0xd3: {  	[tilespmem:$0x11390] =	vst v12  }
0xd4: {  	v12 =	vld [tilespmem:s2+$0x1220];
	_ =	sdelay $0x4  }
0xd5: {  	[tilespmem:$0x113A0] =	vst v12  }
0xd6: {  	v12 =	vld [tilespmem:s2+$0x1230];
	_ =	sdelay $0x4  }
0xd7: {  	[tilespmem:$0x113B0] =	vst v12  }
0xd8: {  	v12 =	vld [tilespmem:s2+$0x1240];
	_ =	sdelay $0x4  }
0xd9: {  	[tilespmem:$0x113C0] =	vst v12  }
0xda: {  	v12 =	vld [tilespmem:s2+$0x1250];
	_ =	sdelay $0x4  }
0xdb: {  	[tilespmem:$0x113D0] =	vst v12  }
0xdc: {  	v12 =	vld [tilespmem:s2+$0x1260];
	_ =	sdelay $0x4  }
0xdd: {  	[tilespmem:$0x113E0] =	vst v12  }
0xde: {  	v12 =	vld [tilespmem:s2+$0x1270];
	_ =	sdelay $0x4  }
0xdf: {  	[tilespmem:$0x113F0] =	vst v12  }
0xe0: {  	v12 =	vld [tilespmem:s2+$0x1600];
	_ =	sdelay $0x4  }
0xe1: {  	[tilespmem:$0x11400] =	vst v12  }
0xe2: {  	v12 =	vld [tilespmem:s2+$0x1610];
	_ =	sdelay $0x4  }
0xe3: {  	[tilespmem:$0x11410] =	vst v12  }
0xe4: {  	v12 =	vld [tilespmem:s2+$0x1620];
	_ =	sdelay $0x4  }
0xe5: {  	[tilespmem:$0x11420] =	vst v12  }
0xe6: {  	v12 =	vld [tilespmem:s2+$0x1630];
	_ =	sdelay $0x4  }
0xe7: {  	[tilespmem:$0x11430] =	vst v12  }
0xe8: {  	v12 =	vld [tilespmem:s2+$0x1640];
	_ =	sdelay $0x4  }
0xe9: {  	[tilespmem:$0x11440] =	vst v12  }
0xea: {  	v12 =	vld [tilespmem:s2+$0x1650];
	_ =	sdelay $0x4  }
0xeb: {  	[tilespmem:$0x11450] =	vst v12  }
0xec: {  	v12 =	vld [tilespmem:s2+$0x1660];
	_ =	sdelay $0x4  }
0xed: {  	[tilespmem:$0x11460] =	vst v12  }
0xee: {  	v12 =	vld [tilespmem:s2+$0x1670];
	_ =	sdelay $0x4  }
0xef: {  	[tilespmem:$0x11470] =	vst v12  }
0xf0: {  	v12 =	vld [tilespmem:s2+$0x1A00];
	_ =	sdelay $0x4  }
0xf1: {  	[tilespmem:$0x11480] =	vst v12  }
0xf2: {  	v12 =	vld [tilespmem:s2+$0x1A10];
	_ =	sdelay $0x4  }
0xf3: {  	[tilespmem:$0x11490] =	vst v12  }
0xf4: {  	v12 =	vld [tilespmem:s2+$0x1A20];
	_ =	sdelay $0x4  }
0xf5: {  	[tilespmem:$0x114A0] =	vst v12  }
0xf6: {  	v12 =	vld [tilespmem:s2+$0x1A30];
	_ =	sdelay $0x4  }
0xf7: {  	[tilespmem:$0x114B0] =	vst v12  }
0xf8: {  	v12 =	vld [tilespmem:s2+$0x1A40];
	_ =	sdelay $0x4  }
0xf9: {  	[tilespmem:$0x114C0] =	vst v12  }
0xfa: {  	v12 =	vld [tilespmem:s2+$0x1A50];
	_ =	sdelay $0x4  }
0xfb: {  	[tilespmem:$0x114D0] =	vst v12  }
0xfc: {  	v12 =	vld [tilespmem:s2+$0x1A60];
	_ =	sdelay $0x4  }
0xfd: {  	[tilespmem:$0x114E0] =	vst v12  }
0xfe: {  	v12 =	vld [tilespmem:s2+$0x1A70];
	_ =	sdelay $0x4  }
0xff: {  	[tilespmem:$0x114F0] =	vst v12  }
0x100: {  	v12 =	vld [tilespmem:s2+$0x1E00];
	_ =	sdelay $0x4  }
0x101: {  	[tilespmem:$0x11500] =	vst v12  }
0x102: {  	v12 =	vld [tilespmem:s2+$0x1E10];
	_ =	sdelay $0x4  }
0x103: {  	[tilespmem:$0x11510] =	vst v12  }
0x104: {  	v12 =	vld [tilespmem:s2+$0x1E20];
	_ =	sdelay $0x4  }
0x105: {  	[tilespmem:$0x11520] =	vst v12  }
0x106: {  	v12 =	vld [tilespmem:s2+$0x1E30];
	_ =	sdelay $0x4  }
0x107: {  	[tilespmem:$0x11530] =	vst v12  }
0x108: {  	v12 =	vld [tilespmem:s2+$0x1E40];
	_ =	sdelay $0x4  }
0x109: {  	[tilespmem:$0x11540] =	vst v12  }
0x10a: {  	v12 =	vld [tilespmem:s2+$0x1E50];
	_ =	sdelay $0x4  }
0x10b: {  	[tilespmem:$0x11550] =	vst v12  }
0x10c: {  	v12 =	vld [tilespmem:s2+$0x1E60];
	_ =	sdelay $0x4  }
0x10d: {  	[tilespmem:$0x11560] =	vst v12  }
0x10e: {  	v12 =	vld [tilespmem:s2+$0x1E70];
	_ =	sdelay $0x4  }
0x10f: {  	s18 =	simm.s32 $0x11280;
	s3 =	rddreg [dreg:$0xc];
	[tilespmem:$0x11570] =	vst v12  }
0x110: {  	[hbm4b:s3+s5] =	stream.linear.scatter [tilespmem:s18], [sflag:$0x5], $0x300, $0x38;
	[tilespmem:$0x1A688] =	vst v63  }
0x111: {  	_ =	swait.ge [sflag:s23], $0x300  }
0x112: {  	s29 =	rddreg [dreg:$0x9]  }
0x113: {  	s28 =	sshll.u32 s28, $0xC;
	s3 =	sadd.s32 s29, s26  }
0x114: {  	[sflag:s23] =	ssyncset.done $0x0;
	s2 =	sadd.s32 s28, s3  }
0x115: {  	[sflag:s23] =	ssyncadd.s32 $0xFFFFFD00;
	v63 =	vmov s2  }
0x116: {  	s31 =	simm.s32 $0x11580;
	s30 =	rddreg [dreg:$0xd];
	[tilespmem:$0x11580] =	vst v63  }
0x117: {  	[spmem:s30] =	stream.linear.scatter [tilespmem:s31], [sflag:$0x5], $0x10, $0x38;
	[tilespmem:$0x1A688] =	vst v63  }
0x118: {  	_ =	swait.ge [sflag:s23], $0x10  }
0x119: {  	[sflag:s23] =	ssyncset.done $0x0  }
0x11a: {  	[sflag:s23] =	ssyncadd.s32 $0xFFFFFFF0  }
0x11b: {  	[bflag:$0x0] =	sbarrier.arrive $0xFFFF  }
.LBB2_8:
0x11c: {  	s2 =	rddreg [dreg:$0x6];
	s3 =	simm.s32 $0x11600  }
0x11d: {  	[tilespmem:s3], [sflag:$0x5] =	stream.linear.gather [spmem:s2], $0x80, $0x38;
	[tilespmem:$0x1A688] =	vst v63  }
0x11e: {  	_ =	swait.ge [sflag:s23], $0x80  }
0x11f: {  	[sflag:s23] =	ssyncset.done $0x0  }
0x120: {  	[sflag:s23] =	ssyncadd.s32 $0xFFFFFF80  }
0x121: {  	v12 =	vld [tilespmem:$0x11600];
	_ =	sdelay $0x4  }
0x122: {  	(v2sf) =	vpush v12, $0x0;
	_ =	sdelay $0x5  }
0x123: {  	v44 =	vld [tilespmem:$0x11610];
	_ =	sdelay $0x2  }
0x124: {  	v13 =	vld [tilespmem:$0x11620];
	_ =	sdelay $0x1  }
0x125: {  	(v2sf) =	vpush v44, $0x0;
	_ =	sdelay $0x2  }
0x126: {  	(v2sf) =	vpush v13, $0x0  }
0x127: {  	s29 =	spop (v2sf)  }
0x128: {  	s2 =	sadd.s32 s6, s29  }
0x129: {  	v45 =	vadd.s32 s2, v0  }
0x12a: {  	[tilespmem:$0x880] =	vst v45  }
0x12b: {  	v12 =	vld [tilespmem:$0x880];
	_ =	sdelay $0x4  }
0x12c: {  	v46 =	vshrl.u32 v12, $0x3  }
0x12d: {  	v13 =	vmul.u32 $0x30, v46  }
0x12e: {  	s30 =	spop (v2sf);
	v14 =	vadd.s32 s2, v7;
	v12 =	vand.u32 $0x7, v12  }
0x12f: {  	v47 =	vadd.s32 s2, v8;
	s31 =	sadd.s32 s6, s30;
	[tilespmem:$0x890] =	vst v14;
	v12 =	vor.u32 v12, v13  }
0x130: {  	[tilespmem:$0x8A0] =	vst v47;
	v48 =	vadd.s32 s31, v0;
	v49 =	vperm.xlane v12, v4  }
0x131: {  	s1 =	spop (v2sf);
	v50 =	vadd.s32 s31, v7;
	[tilespmem:$0x900] =	vst v48  }
0x132: {  	v15 =	vadd.s32 s31, v8;
	s3 =	sadd.s32 s6, s1;
	[tilespmem:$0x910] =	vst v50;
	v51 =	vadd.s32 v5, v49  }
0x133: {  	[tilespmem:$0x920] =	vst v15;
	v52 =	vadd.s32 s3, v0  }
0x134: {  	v53 =	vadd.s32 s3, v7;
	[tilespmem:$0x980] =	vst v52  }
0x135: {  	v54 =	vadd.s32 s3, v8;
	[tilespmem:$0x990] =	vst v53  }
0x136: {  	[tilespmem:$0x9A0] =	vst v54;
	v12 =	vperm.xlane v12, v6  }
0x137: {  	[tilespmem:s8], [sflag:$0x1] =	stream.indirect_vreg.gather [hbm4b:s0+s5], $0x80, v51, vm0, $0xb8;
	[tilespmem:$0x1A688] =	vst v63  }
0x138: {  	s3 =	simm.s32 $0x11E88;
	v12 =	vadd.s32 v5, v12  }
0x139: {  	[tilespmem:s3], [sflag:$0x1] =	stream.indirect_vreg.gather [hbm4b:s11+s5], $0x80, v51, vm0, $0xb8;
	[tilespmem:$0x1A688] =	vst v63  }
0x13a: {  	s26 =	simm.s32 $0x12688  }
0x13b: {  	[tilespmem:s26], [sflag:$0x1] =	stream.indirect_vreg.gather [hbm4b:s12+s5], $0x80, v51, vm0, $0xb8;
	[tilespmem:$0x1A688] =	vst v63  }
0x13c: {  	s28 =	simm.s32 $0x12E88  }
0x13d: {  	[tilespmem:s28], [sflag:$0x1] =	stream.indirect_vreg.gather [hbm4b:s0+s5], $0x80, v12, vm0, $0xb8;
	[tilespmem:$0x1A688] =	vst v63  }
0x13e: {  	s29 =	simm.s32 $0x13688  }
0x13f: {  	[tilespmem:s29], [sflag:$0x1] =	stream.indirect_vreg.gather [hbm4b:s11+s5], $0x80, v12, vm0, $0xb8;
	[tilespmem:$0x1A688] =	vst v63  }
0x140: {  	s30 =	simm.s32 $0x13E88  }
0x141: {  	[tilespmem:s30], [sflag:$0x1] =	stream.indirect_vreg.gather [hbm4b:s12+s5], $0x80, v12, vm0, $0xb8;
	[tilespmem:$0x1A688] =	vst v63  }
0x142: {  	v12 =	vld [tilespmem:$0x890];
	_ =	sdelay $0x4  }
0x143: {  	v55 =	vshrl.u32 v12, $0x3  }
0x144: {  	v13 =	vmul.u32 $0x30, v55  }
0x145: {  	v12 =	vand.u32 $0x7, v12  }
0x146: {  	v12 =	vor.u32 v12, v13  }
0x147: {  	v13 =	vperm.xlane v12, v4;
	_ =	sdelay $0x1  }
0x148: {  	v13 =	vadd.s32 v5, v13;
	_ =	sdelay $0x3  }
0x149: {  	s31 =	simm.s32 $0x14688;
	v12 =	vperm.xlane v12, v6  }
0x14a: {  	[tilespmem:s31], [sflag:$0x1] =	stream.indirect_vreg.gather [hbm4b:s0+s5], $0x80, v13, vm0, $0xb8;
	[tilespmem:$0x1A688] =	vst v63  }
0x14b: {  	s1 =	simm.s32 $0x14E88;
	v12 =	vadd.s32 v5, v12  }
0x14c: {  	[tilespmem:s1], [sflag:$0x1] =	stream.indirect_vreg.gather [hbm4b:s11+s5], $0x80, v13, vm0, $0xb8;
	[tilespmem:$0x1A688] =	vst v63  }
0x14d: {  	_ = 	snop  }
0x14e: {  	[tilespmem:s19], [sflag:$0x1] =	stream.indirect_vreg.gather [hbm4b:s12+s5], $0x80, v13, vm0, $0xb8;
	[tilespmem:$0x1A688] =	vst v63  }
0x14f: {  	_ = 	snop  }
0x150: {  	[tilespmem:s20], [sflag:$0x1] =	stream.indirect_vreg.gather [hbm4b:s0+s5], $0x80, v12, vm0, $0xb8;
	[tilespmem:$0x1A688] =	vst v63  }
0x151: {  	_ = 	snop  }
0x152: {  	[tilespmem:s4], [sflag:$0x1] =	stream.indirect_vreg.gather [hbm4b:s11+s5], $0x80, v12, vm0, $0xb8;
	[tilespmem:$0x1A688] =	vst v63  }
0x153: {  	_ = 	snop  }
0x154: {  	[tilespmem:s7], [sflag:$0x1] =	stream.indirect_vreg.gather [hbm4b:s12+s5], $0x80, v12, vm0, $0xb8;
	[tilespmem:$0x1A688] =	vst v63  }
0x155: {  	v12 =	vld [tilespmem:$0x8A0];
	_ =	sdelay $0x4  }
0x156: {  	v56 =	vshrl.u32 v12, $0x3  }
0x157: {  	v13 =	vmul.u32 $0x30, v56  }
0x158: {  	v12 =	vand.u32 $0x7, v12  }
0x159: {  	v12 =	vor.u32 v12, v13  }
0x15a: {  	v13 =	vperm.xlane v12, v4;
	_ =	sdelay $0x1  }
0x15b: {  	v13 =	vadd.s32 v5, v13;
	_ =	sdelay $0x3  }
0x15c: {  	v12 =	vperm.xlane v12, v6  }
0x15d: {  	[tilespmem:s9], [sflag:$0x1] =	stream.indirect_vreg.gather [hbm4b:s0+s5], $0x80, v13, vm0, $0xb8;
	[tilespmem:$0x1A688] =	vst v63  }
0x15e: {  	v12 =	vadd.s32 v5, v12  }
0x15f: {  	[tilespmem:s10], [sflag:$0x1] =	stream.indirect_vreg.gather [hbm4b:s11+s5], $0x80, v13, vm0, $0xb8;
	[tilespmem:$0x1A688] =	vst v63  }
0x160: {  	_ = 	snop  }
0x161: {  	[tilespmem:s16], [sflag:$0x1] =	stream.indirect_vreg.gather [hbm4b:s12+s5], $0x80, v13, vm0, $0xb8;
	[tilespmem:$0x1A688] =	vst v63  }
0x162: {  	_ = 	snop  }
0x163: {  	[tilespmem:s17], [sflag:$0x1] =	stream.indirect_vreg.gather [hbm4b:s0+s5], $0x80, v12, vm0, $0xb8;
	[tilespmem:$0x1A688] =	vst v63  }
0x164: {  	_ = 	snop  }
0x165: {  	[tilespmem:s15], [sflag:$0x1] =	stream.indirect_vreg.gather [hbm4b:s11+s5], $0x80, v12, vm0, $0xb8;
	[tilespmem:$0x1A688] =	vst v63  }
0x166: {  	_ = 	snop  }
0x167: {  	[tilespmem:s22], [sflag:$0x1] =	stream.indirect_vreg.gather [hbm4b:s12+s5], $0x80, v12, vm0, $0xb8;
	[tilespmem:$0x1A688] =	vst v63  }
0x168: {  	v12 =	vld [tilespmem:$0x900];
	_ =	sdelay $0x4  }
0x169: {  	v57 =	vshrl.u32 v12, $0x3  }
0x16a: {  	v13 =	vmul.u32 $0x30, v57  }
0x16b: {  	v12 =	vand.u32 $0x7, v12  }
0x16c: {  	v12 =	vor.u32 v12, v13  }
0x16d: {  	v13 =	vperm.xlane v12, v4;
	_ =	sdelay $0x1  }
0x16e: {  	v13 =	vadd.s32 v5, v13;
	_ =	sdelay $0x3  }
0x16f: {  	v12 =	vperm.xlane v12, v6  }
0x170: {  	[tilespmem:s24], [sflag:$0x2] =	stream.indirect_vreg.gather [hbm4b:s0+s5], $0x80, v13, vm0, $0xb8;
	[tilespmem:$0x1A688] =	vst v63  }
0x171: {  	s18 =	simm.s32 $0x1200;
	v12 =	vadd.s32 v5, v12  }
0x172: {  	[tilespmem:s18], [sflag:$0x2] =	stream.indirect_vreg.gather [hbm4b:s11+s5], $0x80, v13, vm0, $0xb8;
	[tilespmem:$0x1A688] =	vst v63  }
0x173: {  	s18 =	simm.s32 $0x1A00  }
0x174: {  	[tilespmem:s18], [sflag:$0x2] =	stream.indirect_vreg.gather [hbm4b:s12+s5], $0x80, v13, vm0, $0xb8;
	[tilespmem:$0x1A688] =	vst v63  }
0x175: {  	s18 =	simm.s32 $0x2200  }
0x176: {  	[tilespmem:s18], [sflag:$0x2] =	stream.indirect_vreg.gather [hbm4b:s0+s5], $0x80, v12, vm0, $0xb8;
	[tilespmem:$0x1A688] =	vst v63  }
0x177: {  	s18 =	simm.s32 $0x2A00  }
0x178: {  	[tilespmem:s18], [sflag:$0x2] =	stream.indirect_vreg.gather [hbm4b:s11+s5], $0x80, v12, vm0, $0xb8;
	[tilespmem:$0x1A688] =	vst v63  }
0x179: {  	s18 =	simm.s32 $0x3200  }
0x17a: {  	[tilespmem:s18], [sflag:$0x2] =	stream.indirect_vreg.gather [hbm4b:s12+s5], $0x80, v12, vm0, $0xb8;
	[tilespmem:$0x1A688] =	vst v63  }
0x17b: {  	v12 =	vld [tilespmem:$0x910];
	_ =	sdelay $0x4  }
0x17c: {  	v58 =	vshrl.u32 v12, $0x3  }
0x17d: {  	v13 =	vmul.u32 $0x30, v58  }
0x17e: {  	v12 =	vand.u32 $0x7, v12  }
0x17f: {  	v12 =	vor.u32 v12, v13  }
0x180: {  	v13 =	vperm.xlane v12, v4;
	_ =	sdelay $0x1  }
0x181: {  	v13 =	vadd.s32 v5, v13;
	_ =	sdelay $0x3  }
0x182: {  	s18 =	simm.s32 $0x3A00;
	v12 =	vperm.xlane v12, v6  }
0x183: {  	[tilespmem:s18], [sflag:$0x2] =	stream.indirect_vreg.gather [hbm4b:s0+s5], $0x80, v13, vm0, $0xb8;
	[tilespmem:$0x1A688] =	vst v63  }
0x184: {  	v12 =	vadd.s32 v5, v12;
	s18 =	simm.s32 $0x4200  }
0x185: {  	[tilespmem:s18], [sflag:$0x2] =	stream.indirect_vreg.gather [hbm4b:s11+s5], $0x80, v13, vm0, $0xb8;
	[tilespmem:$0x1A688] =	vst v63  }
0x186: {  	s18 =	simm.s32 $0x4A00  }
0x187: {  	[tilespmem:s18], [sflag:$0x2] =	stream.indirect_vreg.gather [hbm4b:s12+s5], $0x80, v13, vm0, $0xb8;
	[tilespmem:$0x1A688] =	vst v63  }
0x188: {  	s18 =	simm.s32 $0x5200  }
0x189: {  	[tilespmem:s18], [sflag:$0x2] =	stream.indirect_vreg.gather [hbm4b:s0+s5], $0x80, v12, vm0, $0xb8;
	[tilespmem:$0x1A688] =	vst v63  }
0x18a: {  	s18 =	simm.s32 $0x5A00  }
0x18b: {  	[tilespmem:s18], [sflag:$0x2] =	stream.indirect_vreg.gather [hbm4b:s11+s5], $0x80, v12, vm0, $0xb8;
	[tilespmem:$0x1A688] =	vst v63  }
0x18c: {  	s18 =	simm.s32 $0x6200  }
0x18d: {  	[tilespmem:s18], [sflag:$0x2] =	stream.indirect_vreg.gather [hbm4b:s12+s5], $0x80, v12, vm0, $0xb8;
	[tilespmem:$0x1A688] =	vst v63  }
0x18e: {  	v12 =	vld [tilespmem:$0x920];
	_ =	sdelay $0x4  }
0x18f: {  	v59 =	vshrl.u32 v12, $0x3  }
0x190: {  	v13 =	vmul.u32 $0x30, v59  }
0x191: {  	v12 =	vand.u32 $0x7, v12  }
0x192: {  	v12 =	vor.u32 v12, v13  }
0x193: {  	v13 =	vperm.xlane v12, v4;
	_ =	sdelay $0x1  }
0x194: {  	v13 =	vadd.s32 v5, v13;
	_ =	sdelay $0x3  }
0x195: {  	s18 =	simm.s32 $0x6A00;
	v12 =	vperm.xlane v12, v6  }
0x196: {  	[tilespmem:s18], [sflag:$0x2] =	stream.indirect_vreg.gather [hbm4b:s0+s5], $0x80, v13, vm0, $0xb8;
	[tilespmem:$0x1A688] =	vst v63  }
0x197: {  	v12 =	vadd.s32 v5, v12;
	s18 =	simm.s32 $0x7200  }
0x198: {  	[tilespmem:s18], [sflag:$0x2] =	stream.indirect_vreg.gather [hbm4b:s11+s5], $0x80, v13, vm0, $0xb8;
	[tilespmem:$0x1A688] =	vst v63  }
0x199: {  	s18 =	simm.s32 $0x7A00  }
0x19a: {  	[tilespmem:s18], [sflag:$0x2] =	stream.indirect_vreg.gather [hbm4b:s12+s5], $0x80, v13, vm0, $0xb8;
	[tilespmem:$0x1A688] =	vst v63  }
0x19b: {  	s18 =	simm.s32 $0x8200  }
0x19c: {  	[tilespmem:s18], [sflag:$0x2] =	stream.indirect_vreg.gather [hbm4b:s0+s5], $0x80, v12, vm0, $0xb8;
	[tilespmem:$0x1A688] =	vst v63  }
0x19d: {  	s18 =	simm.s32 $0x8A00  }
0x19e: {  	[tilespmem:s18], [sflag:$0x2] =	stream.indirect_vreg.gather [hbm4b:s11+s5], $0x80, v12, vm0, $0xb8;
	[tilespmem:$0x1A688] =	vst v63  }
0x19f: {  	s18 =	simm.s32 $0x9200  }
0x1a0: {  	[tilespmem:s18], [sflag:$0x2] =	stream.indirect_vreg.gather [hbm4b:s12+s5], $0x80, v12, vm0, $0xb8;
	[tilespmem:$0x1A688] =	vst v63  }
0x1a1: {  	_ =	swait.ge [sflag:s13], $0x9000  }
0x1a2: {  	[sflag:s13] =	ssyncset.done $0x0  }
0x1a3: {  	s18 =	rddreg [dreg:$0x10];
	[sflag:s13] =	ssyncadd.s32 $0xFFFF7000  }
0x1a4: {  	[hbm4b:s18+s5] =	stream.linear.scatter [tilespmem:s8], [sflag:$0x3], $0x9000, $0x38;
	[tilespmem:$0x1A688] =	vst v63  }
0x1a5: {  	_ =	swait.ge [sflag:s21], $0x9000  }
0x1a6: {  	[sflag:s21] =	ssyncset.done $0x0  }
0x1a7: {  	s2 =	rddreg [dreg:$0xe];
	[sflag:s21] =	ssyncadd.s32 $0xFFFF7000  }
0x1a8: {  	[hbm4b:s2+s5] =	stream.linear.scatter [tilespmem:s24], [sflag:$0x4], $0x9000, $0x38;
	[tilespmem:$0x1A688] =	vst v63  }
0x1a9: {  	_ =	swait.ge [sflag:s14], $0x9000  }
0x1aa: {  	[sflag:s14] =	ssyncset.done $0x0  }
0x1ab: {  	[sflag:s14] =	ssyncadd.s32 $0xFFFF7000  }
0x1ac: {  	v60 =	vld [tilespmem:$0x980];
	_ =	sdelay $0x4  }
0x1ad: {  	v61 =	vshrl.u32 v60, $0x3  }
0x1ae: {  	v13 =	vmul.u32 $0x30, v61  }
0x1af: {  	v12 =	vand.u32 $0x7, v60  }
0x1b0: {  	v12 =	vor.u32 v12, v13  }
0x1b1: {  	v13 =	vperm.xlane v12, v4;
	_ =	sdelay $0x1  }
0x1b2: {  	v13 =	vadd.s32 v5, v13;
	_ =	sdelay $0x3  }
0x1b3: {  	v12 =	vperm.xlane v12, v6  }
0x1b4: {  	[tilespmem:s8], [sflag:$0x1] =	stream.indirect_vreg.gather [hbm4b:s0+s5], $0x80, v13, vm0, $0xb8;
	[tilespmem:$0x1A688] =	vst v63  }
0x1b5: {  	v12 =	vadd.s32 v5, v12  }
0x1b6: {  	[tilespmem:s3], [sflag:$0x1] =	stream.indirect_vreg.gather [hbm4b:s11+s5], $0x80, v13, vm0, $0xb8;
	[tilespmem:$0x1A688] =	vst v63  }
0x1b7: {  	_ = 	snop  }
0x1b8: {  	[tilespmem:s26], [sflag:$0x1] =	stream.indirect_vreg.gather [hbm4b:s12+s5], $0x80, v13, vm0, $0xb8;
	[tilespmem:$0x1A688] =	vst v63  }
0x1b9: {  	_ = 	snop  }
0x1ba: {  	[tilespmem:s28], [sflag:$0x1] =	stream.indirect_vreg.gather [hbm4b:s0+s5], $0x80, v12, vm0, $0xb8;
	[tilespmem:$0x1A688] =	vst v63  }
0x1bb: {  	_ = 	snop  }
0x1bc: {  	[tilespmem:s29], [sflag:$0x1] =	stream.indirect_vreg.gather [hbm4b:s11+s5], $0x80, v12, vm0, $0xb8;
	[tilespmem:$0x1A688] =	vst v63  }
0x1bd: {  	_ = 	snop  }
0x1be: {  	[tilespmem:s30], [sflag:$0x1] =	stream.indirect_vreg.gather [hbm4b:s12+s5], $0x80, v12, vm0, $0xb8;
	[tilespmem:$0x1A688] =	vst v63  }
0x1bf: {  	v12 =	vld [tilespmem:$0x990];
	_ =	sdelay $0x4  }
0x1c0: {  	v62 =	vshrl.u32 v12, $0x3  }
0x1c1: {  	v13 =	vmul.u32 $0x30, v62  }
0x1c2: {  	v12 =	vand.u32 $0x7, v12  }
0x1c3: {  	v12 =	vor.u32 v12, v13  }
0x1c4: {  	v13 =	vperm.xlane v12, v4;
	_ =	sdelay $0x1  }
0x1c5: {  	v13 =	vadd.s32 v5, v13;
	_ =	sdelay $0x3  }
0x1c6: {  	v12 =	vperm.xlane v12, v6  }
0x1c7: {  	[tilespmem:s31], [sflag:$0x1] =	stream.indirect_vreg.gather [hbm4b:s0+s5], $0x80, v13, vm0, $0xb8;
	[tilespmem:$0x1A688] =	vst v63  }
0x1c8: {  	v12 =	vadd.s32 v5, v12  }
0x1c9: {  	[tilespmem:s1], [sflag:$0x1] =	stream.indirect_vreg.gather [hbm4b:s11+s5], $0x80, v13, vm0, $0xb8;
	[tilespmem:$0x1A688] =	vst v63  }
0x1ca: {  	_ = 	snop  }
0x1cb: {  	[tilespmem:s19], [sflag:$0x1] =	stream.indirect_vreg.gather [hbm4b:s12+s5], $0x80, v13, vm0, $0xb8;
	[tilespmem:$0x1A688] =	vst v63  }
0x1cc: {  	_ = 	snop  }
0x1cd: {  	[tilespmem:s20], [sflag:$0x1] =	stream.indirect_vreg.gather [hbm4b:s0+s5], $0x80, v12, vm0, $0xb8;
	[tilespmem:$0x1A688] =	vst v63  }
0x1ce: {  	_ = 	snop  }
0x1cf: {  	[tilespmem:s4], [sflag:$0x1] =	stream.indirect_vreg.gather [hbm4b:s11+s5], $0x80, v12, vm0, $0xb8;
	[tilespmem:$0x1A688] =	vst v63  }
0x1d0: {  	_ = 	snop  }
0x1d1: {  	[tilespmem:s7], [sflag:$0x1] =	stream.indirect_vreg.gather [hbm4b:s12+s5], $0x80, v12, vm0, $0xb8;
	[tilespmem:$0x1A688] =	vst v63  }
0x1d2: {  	v12 =	vld [tilespmem:$0x9A0];
	_ =	sdelay $0x4  }
0x1d3: {  	v63 =	vshrl.u32 v12, $0x3  }
0x1d4: {  	v13 =	vmul.u32 $0x30, v63  }
0x1d5: {  	v12 =	vand.u32 $0x7, v12  }
0x1d6: {  	v12 =	vor.u32 v12, v13  }
0x1d7: {  	v13 =	vperm.xlane v12, v4;
	_ =	sdelay $0x1  }
0x1d8: {  	v13 =	vadd.s32 v5, v13;
	_ =	sdelay $0x3  }
0x1d9: {  	v12 =	vperm.xlane v12, v6  }
0x1da: {  	[tilespmem:s9], [sflag:$0x1] =	stream.indirect_vreg.gather [hbm4b:s0+s5], $0x80, v13, vm0, $0xb8;
	[tilespmem:$0x1A688] =	vst v63  }
0x1db: {  	v12 =	vadd.s32 v5, v12  }
0x1dc: {  	[tilespmem:s10], [sflag:$0x1] =	stream.indirect_vreg.gather [hbm4b:s11+s5], $0x80, v13, vm0, $0xb8;
	[tilespmem:$0x1A688] =	vst v63  }
0x1dd: {  	_ = 	snop  }
0x1de: {  	[tilespmem:s16], [sflag:$0x1] =	stream.indirect_vreg.gather [hbm4b:s12+s5], $0x80, v13, vm0, $0xb8;
	[tilespmem:$0x1A688] =	vst v63  }
0x1df: {  	_ = 	snop  }
0x1e0: {  	[tilespmem:s17], [sflag:$0x1] =	stream.indirect_vreg.gather [hbm4b:s0+s5], $0x80, v12, vm0, $0xb8;
	[tilespmem:$0x1A688] =	vst v63  }
0x1e1: {  	_ = 	snop  }
0x1e2: {  	[tilespmem:s15], [sflag:$0x1] =	stream.indirect_vreg.gather [hbm4b:s11+s5], $0x80, v12, vm0, $0xb8;
	[tilespmem:$0x1A688] =	vst v63  }
0x1e3: {  	_ = 	snop  }
0x1e4: {  	[tilespmem:s22], [sflag:$0x1] =	stream.indirect_vreg.gather [hbm4b:s12+s5], $0x80, v12, vm0, $0xb8;
	[tilespmem:$0x1A688] =	vst v63  }
0x1e5: {  	_ =	swait.ge [sflag:s13], $0x9000  }
0x1e6: {  	[sflag:s13] =	ssyncset.done $0x0  }
0x1e7: {  	s31 =	simm.s32 $0x4;
	s30 =	rddreg [dreg:$0xf];
	[sflag:s13] =	ssyncadd.s32 $0xFFFF7000  }
0x1e8: {  	[hbm4b:s30+s5] =	stream.linear.scatter [tilespmem:s8], [sflag:$0x3], $0x9000, $0x38;
	[tilespmem:$0x1A688] =	vst v63  }
0x1e9: {  	_ =	swait.ge [sflag:s31], $0x9000  }
0x1ea: {  	[sflag:s31] =	ssyncset.done $0x0  }
0x1eb: {  	[sflag:s31] =	ssyncadd.s32 $0xFFFF7000  }
0x1ec: {  	_ =	swait.ge [sflag:s14], $0x9000  }
0x1ed: {  	[sflag:s14] =	ssyncset.done $0x0  }
0x1ee: {  	s18 =	simm.s32 $0xA00;
	[sflag:s14] =	ssyncadd.s32 $0xFFFF7000  }
.LBB2_9:
0x1ef: {  	s25 =	sadd.s32 $0x1, s25;
	s1 =	rddreg [dreg:$0x11]  }
0x1f0: {  	p4 =	sne.s32 s25, s1  }
.Ltmp1:
0x1f1: {  	_ = 	snop;
	(pc) =	sbr.rel @!p4 .LBB2_10-.Ltmp1, $1  }
0x1f2: {  	_ =	sdelay $0x3  }
.LBB2_1:
.Ltmp2:
0x1f3: {  	(pc) =	sbr.rel @p0 .LBB2_7-.Ltmp2, $1  }
0x1f4: {  	_ =	sdelay $0x3  }
0x1f5: {  	s26 =	simm.s32 $0x0;
	s2 =	rddreg [dreg:$0x8]  }
0x1f6: {  	[tilespmem:s26], [sflag:$0x1] =	stream.linear.gather [hbm4b:s2+s26], $0x80, $0x38;
	[tilespmem:$0x1A688] =	vst v63  }
0x1f7: {  	s28 =	simm.s32 $0x80;
	s31 =	rddreg [dreg:$0xa]  }
0x1f8: {  	[tilespmem:s28], [sflag:$0x2] =	stream.linear.gather [hbm4b:s31+s26], $0x800, $0x38;
	[tilespmem:$0x1A688] =	vst v63  }
0x1f9: {  	s1 =	rddreg [dreg:$0xb];
	s3 =	simm.s32 $0x11200  }
0x1fa: {  	[tilespmem:s3], [sflag:$0x3] =	stream.linear.gather [hbm4b:s1+s26], $0x30, $0x38;
	[tilespmem:$0x1A688] =	vst v63  }
0x1fb: {  	s30 =	simm.s32 $0x9A00;
	s3 =	rddreg [dreg:$0x1]  }
0x1fc: {  	[tilespmem:s30], [sflag:$0x4] =	stream.linear.gather [hbm4b:s3+s26], $0x7800, $0x38;
	[tilespmem:$0x1A688] =	vst v63  }
0x1fd: {  	_ =	swait.ge [sflag:s21], $0x800  }
0x1fe: {  	[sflag:s21] =	ssyncset.done $0x0  }
0x1ff: {  	[sflag:s21] =	ssyncadd.s32 $0xFFFFF800  }
0x200: {  	v12 =	vld [tilespmem:s28+$0x0];
	_ =	sdelay $0x4  }
0x201: {  	v13 =	vor.u32 s26, v0;
	s31 =	simm.s32 $0x90;
	vm2 =	veq.s32 v12, $0x0  }
0x202: {  	v16 =	vld [tilespmem:s31+$0x0];
	v12 =	vimm.s32 $0x800;
	v13 =	vsel vm2, $0x800, v13  }
0x203: {  	vm2 =	vgt.s32 v12, v13  }
0x204: {  	v15 =	vsel vm2, v12, v13  }
0x205: {  	vm3 =	vgt.s32 v12, v15  }
0x206: {  	s29 =	simm.s32 $0x10;
	v14 =	vsel vm2, v13, v12;
	v13 =	vsel vm3, v15, v12;
	v15 =	vsel vm3, v12, v15  }
0x207: {  	s26 =	simm.s32 $0x20;
	s28 =	simm.s32 $0x30;
	vm3 =	veq.s32 v16, $0x0;
	v16 =	vor.u32 s29, v0;
	s29 =	simm.s32 $0xA0;
	vm2 =	vlt.s32 v12, v15  }
.LBB2_3:
0x208: {  	p4 =	sne.s32 s28, $0x7F0;
	v17 =	vld [tilespmem:s29+$0x0];
	v16 =	vsel vm3, $0x800, v16;
	v12 =	vsel vm2, v12, v15;
	s30 =	smov.u32 s28;
	s28 =	sadd.s32 $0x10, s28  }
.Ltmp3:
0x209: {  	vm2 =	vgt.s32 v14, v16;
	(pc) =	sbr.rel @p4 .LBB2_3-.Ltmp3, $4  }
0x20a: {  	v18 =	vsel vm2, v14, v16;
	v14 =	vsel vm2, v16, v14  }
0x20b: {  	vm2 =	vgt.s32 v13, v18  }
0x20c: {  	v15 =	vsel vm2, v13, v18;
	v13 =	vsel vm2, v18, v13  }
0x20d: {  	s29 =	sadd.s32 $0x10, s29;
	v16 =	vor.u32 s26, v0;
	s26 =	smov.u32 s30;
	vm3 =	veq.s32 v17, $0x0;
	vm2 =	vlt.s32 v12, v15  }
0x20e: {  	v17 =	vld [tilespmem:s29+$0x0];
	_ =	sdelay $0x2  }
0x20f: {  	v16 =	vsel vm3, $0x800, v16  }
0x210: {  	vm3 =	vgt.s32 v14, v16  }
0x211: {  	v18 =	vsel vm3, v14, v16;
	vm4 =	veq.s32 v17, $0x0;
	v17 =	vor.u32 s26, v0  }
0x212: {  	v14 =	vsel vm3, v16, v14;
	vm3 =	vgt.s32 v13, v18;
	v16 =	vsel vm4, $0x800, v17  }
0x213: {  	v12 =	vsel vm2, v12, v15;
	v15 =	vsel vm3, v13, v18;
	vm2 =	vgt.s32 v14, v16  }
0x214: {  	v13 =	vsel vm3, v18, v13;
	vm3 =	vlt.s32 v12, v15;
	v17 =	vsel vm2, v14, v16  }
0x215: {  	v12 =	vsel vm3, v12, v15;
	vm3 =	vgt.s32 v13, v17  }
0x216: {  	v14 =	vsel vm2, v16, v14;
	v15 =	vsel vm3, v17, v13;
	v13 =	vsel vm3, v13, v17  }
0x217: {  	v16 =	vxor.u32 $0x80000000, v14;
	vm3 =	vlt.s32 v14, $0x800;
	vm2 =	vlt.s32 v12, v13  }
0x218: {  	(xrf0) =	vmin.scan.msk.u32 $0xffff, v16;
	v16 =	vnsel vm3, $0x7FFFFFFF, v16;
	vm15 =	vlt.s32 v15, $0x800;
	v17 =	vxor.u32 $0x80000000, v15  }
0x219: {  	v12 =	vsel vm2, v12, v13;
	(xrf0) =	vmax.scan.msk.u32 $0xffff, v16;
	v13 =	vnsel vm15, $0x7FFFFFFF, v17  }
0x21a: {  	(xrf0) =	vmax.scan.msk.u32 $0xffff, v13;
	vm2 =	vlt.s32 v12, $0x800;
	v13 =	vxor.u32 $0x80000000, v12  }
0x21b: {  	v13 =	vnsel vm2, $0x7FFFFFFF, v13  }
0x21c: {  	(xrf0) =	vmax.scan.msk.u32 $0xffff, v13;
	v13 =	vnsel vm3, $0x0, v14  }
0x21d: {  	(xrf0) =	vadd.scan.msk.s32 $0xffff, v13;
	v13 =	vnsel vm15, $0x0, v15;
	_ =	sdelay $0x1  }
0x21e: {  	v12 =	vnsel vm2, $0x0, v12;
	v14, _, _ =	vpop (xrf0);
	(xrf0) =	vadd.scan.msk.s32 $0xffff, v13  }
0x21f: {  	v13, _, _ =	vpop (xrf0);
	(xrf0) =	vadd.scan.msk.s32 $0xffff, v12  }
0x220: {  	(v2sf) =	vpush v14, $0xF  }
0x221: {  	v12, _, _ =	vpop (xrf0);
	(v2sf) =	vpush v13, $0xF  }
0x222: {  	(v2sf) =	vpush v12, $0xF;
	v12, _, _ =	vpop (xrf0)  }
0x223: {  	v13, _, _ =	vpop (xrf0);
	(v2sf) =	vpush v12, $0xF  }
0x224: {  	v12, _, _ =	vpop (xrf0);
	(v2sf) =	vpush v13, $0xF  }
0x225: {  	(v2sf) =	vpush v12, $0xF;
	v12, _, _ =	vpop (xrf0)  }
0x226: {  	(v2sf) =	vpush v12, $0xF;
	_ =	sdelay $0x8  }
0x227: {  	s3 =	spop (v2sf)  }
0x228: {  	s28 =	spop (v2sf)  }
0x229: {  	s26 =	sxor.u32 $0x80000000, s3;
	s29 =	spop (v2sf)  }
0x22a: {  	s28 =	sxor.u32 $0x80000000, s28;
	s29 =	sxor.u32 $0x80000000, s29;
	s30 =	spop (v2sf)  }
0x22b: {  	p4 =	sgt.s32 s28, s29;
	s31 =	spop (v2sf);
	s30 =	sxor.u32 $0x80000000, s30  }
0x22c: {  	s29 =	smov.u32 @p4 s28;
	s28 =	spop (v2sf);
	s31 =	ssub.s32 s31, s26  }
0x22d: {  	p4 =	sgt.s32 s29, s30;
	s28 =	sadd.s32 s28, s31;
	s31 =	spop (v2sf)  }
0x22e: {  	s30 =	smov.u32 @p4 s29;
	s28 =	sadd.s32 s31, s28  }
0x22f: {  	s28 =	ssub.s32 s28, s30  }
0x230: {  	s30 =	smov.u32 @p1 s28  }
0x231: {  	s30 =	smov.u32 @p2 s26  }
0x232: {  	v12 =	vadd.s32 s30, v1  }
0x233: {  	v13 =	vshrl.u32 v12, $0x3  }
0x234: {  	v14 =	vmov s30;
	v13 =	vmul.u32 $0x30, v13  }
0x235: {  	v14 =	vand.u32 $0x7, v14  }
0x236: {  	v13 =	vor.u32 v14, v13  }
0x237: {  	v14 =	vperm.xlane v13, v4;
	_ =	sdelay $0x1  }
0x238: {  	v14 =	vadd.s32 v5, v14;
	_ =	sdelay $0x1  }
0x239: {  	[tilespmem:$0x880] =	vst v12;
	v12 =	vadd.s32 s30, v2  }
0x23a: {  	[tilespmem:$0x890] =	vst v12;
	v12 =	vadd.s32 s30, v3  }
0x23b: {  	s26 =	simm.s32 $0x0;
	[tilespmem:$0x8A0] =	vst v12;
	v12 =	vperm.xlane v13, v6  }
0x23c: {  	[tilespmem:s18], [sflag:$0x2] =	stream.indirect_vreg.gather [hbm4b:s0+s26], $0x80, v14, vm0, $0xb8;
	[tilespmem:$0x1A688] =	vst v63  }
0x23d: {  	s2 =	simm.s32 $0x1200;
	v12 =	vadd.s32 v5, v12  }
0x23e: {  	[tilespmem:s2], [sflag:$0x2] =	stream.indirect_vreg.gather [hbm4b:s11+s26], $0x80, v14, vm0, $0xb8;
	[tilespmem:$0x1A688] =	vst v63  }
0x23f: {  	s18 =	simm.s32 $0x1A00  }
0x240: {  	[tilespmem:s18], [sflag:$0x2] =	stream.indirect_vreg.gather [hbm4b:s12+s26], $0x80, v14, vm0, $0xb8;
	[tilespmem:$0x1A688] =	vst v63  }
0x241: {  	s1 =	simm.s32 $0x2200  }
0x242: {  	[tilespmem:s1], [sflag:$0x2] =	stream.indirect_vreg.gather [hbm4b:s0+s26], $0x80, v12, vm0, $0xb8;
	[tilespmem:$0x1A688] =	vst v63  }
0x243: {  	s3 =	simm.s32 $0x2A00  }
0x244: {  	[tilespmem:s3], [sflag:$0x2] =	stream.indirect_vreg.gather [hbm4b:s11+s26], $0x80, v12, vm0, $0xb8;
	[tilespmem:$0x1A688] =	vst v63  }
0x245: {  	s18 =	simm.s32 $0x3200  }
0x246: {  	[tilespmem:s18], [sflag:$0x2] =	stream.indirect_vreg.gather [hbm4b:s12+s26], $0x80, v12, vm0, $0xb8;
	[tilespmem:$0x1A688] =	vst v63  }
0x247: {  	v12 =	vld [tilespmem:$0x890];
	_ =	sdelay $0x4  }
0x248: {  	v13 =	vshrl.u32 v12, $0x3  }
0x249: {  	v13 =	vmul.u32 $0x30, v13  }
0x24a: {  	v12 =	vand.u32 $0x7, v12  }
0x24b: {  	v12 =	vor.u32 v12, v13  }
0x24c: {  	v13 =	vperm.xlane v12, v4;
	_ =	sdelay $0x1  }
0x24d: {  	v13 =	vadd.s32 v5, v13;
	_ =	sdelay $0x3  }
0x24e: {  	s1 =	simm.s32 $0x3A00;
	v12 =	vperm.xlane v12, v6  }
0x24f: {  	[tilespmem:s1], [sflag:$0x2] =	stream.indirect_vreg.gather [hbm4b:s0+s26], $0x80, v13, vm0, $0xb8;
	[tilespmem:$0x1A688] =	vst v63  }
0x250: {  	s3 =	simm.s32 $0x4200;
	v12 =	vadd.s32 v5, v12  }
0x251: {  	[tilespmem:s3], [sflag:$0x2] =	stream.indirect_vreg.gather [hbm4b:s11+s26], $0x80, v13, vm0, $0xb8;
	[tilespmem:$0x1A688] =	vst v63  }
0x252: {  	s18 =	simm.s32 $0x4A00  }
0x253: {  	[tilespmem:s18], [sflag:$0x2] =	stream.indirect_vreg.gather [hbm4b:s12+s26], $0x80, v13, vm0, $0xb8;
	[tilespmem:$0x1A688] =	vst v63  }
0x254: {  	s1 =	simm.s32 $0x5200  }
0x255: {  	[tilespmem:s1], [sflag:$0x2] =	stream.indirect_vreg.gather [hbm4b:s0+s26], $0x80, v12, vm0, $0xb8;
	[tilespmem:$0x1A688] =	vst v63  }
0x256: {  	s3 =	simm.s32 $0x5A00  }
0x257: {  	[tilespmem:s3], [sflag:$0x2] =	stream.indirect_vreg.gather [hbm4b:s11+s26], $0x80, v12, vm0, $0xb8;
	[tilespmem:$0x1A688] =	vst v63  }
0x258: {  	s18 =	simm.s32 $0x6200  }
0x259: {  	[tilespmem:s18], [sflag:$0x2] =	stream.indirect_vreg.gather [hbm4b:s12+s26], $0x80, v12, vm0, $0xb8;
	[tilespmem:$0x1A688] =	vst v63  }
0x25a: {  	v12 =	vld [tilespmem:$0x8A0];
	_ =	sdelay $0x4  }
0x25b: {  	v13 =	vshrl.u32 v12, $0x3  }
0x25c: {  	v13 =	vmul.u32 $0x30, v13  }
0x25d: {  	v12 =	vand.u32 $0x7, v12  }
0x25e: {  	v12 =	vor.u32 v12, v13  }
0x25f: {  	v13 =	vperm.xlane v12, v4;
	_ =	sdelay $0x1  }
0x260: {  	v13 =	vadd.s32 v5, v13;
	_ =	sdelay $0x3  }
0x261: {  	s1 =	simm.s32 $0x6A00;
	v12 =	vperm.xlane v12, v6  }
0x262: {  	[tilespmem:s1], [sflag:$0x2] =	stream.indirect_vreg.gather [hbm4b:s0+s26], $0x80, v13, vm0, $0xb8;
	[tilespmem:$0x1A688] =	vst v63  }
0x263: {  	s3 =	simm.s32 $0x7200;
	v12 =	vadd.s32 v5, v12  }
0x264: {  	[tilespmem:s3], [sflag:$0x2] =	stream.indirect_vreg.gather [hbm4b:s11+s26], $0x80, v13, vm0, $0xb8;
	[tilespmem:$0x1A688] =	vst v63  }
0x265: {  	s18 =	simm.s32 $0x7A00  }
0x266: {  	[tilespmem:s18], [sflag:$0x2] =	stream.indirect_vreg.gather [hbm4b:s12+s26], $0x80, v13, vm0, $0xb8;
	[tilespmem:$0x1A688] =	vst v63  }
0x267: {  	s1 =	simm.s32 $0x8200  }
0x268: {  	[tilespmem:s1], [sflag:$0x2] =	stream.indirect_vreg.gather [hbm4b:s0+s26], $0x80, v12, vm0, $0xb8;
	[tilespmem:$0x1A688] =	vst v63  }
0x269: {  	s3 =	simm.s32 $0x8A00  }
0x26a: {  	[tilespmem:s3], [sflag:$0x2] =	stream.indirect_vreg.gather [hbm4b:s11+s26], $0x80, v12, vm0, $0xb8;
	[tilespmem:$0x1A688] =	vst v63  }
0x26b: {  	s18 =	simm.s32 $0x9200  }
0x26c: {  	[tilespmem:s18], [sflag:$0x2] =	stream.indirect_vreg.gather [hbm4b:s12+s26], $0x80, v12, vm0, $0xb8;
	[tilespmem:$0x1A688] =	vst v63  }
0x26d: {  	_ =	swait.ge [sflag:s13], $0x80  }
0x26e: {  	[sflag:s13] =	ssyncset.done $0x0  }
0x26f: {  	[sflag:s13] =	ssyncadd.s32 $0xFFFFFF80  }
0x270: {  	v12 =	vld [tilespmem:$0x0];
	_ =	swait.ge [sflag:s21], $0x9000  }
0x271: {  	[sflag:s21] =	ssyncset.done $0x0  }
0x272: {  	[sflag:s21] =	ssyncadd.s32 $0xFFFF7000  }
0x273: {  	_ =	swait.ge [sflag:s14], $0x30  }
0x274: {  	[sflag:s14] =	ssyncset.done $0x0  }
0x275: {  	s28 =	simm.s32 $0x0;
	s1 =	simm.s32 $0x4;
	[sflag:s14] =	ssyncadd.s32 $0xFFFFFFD0  }
0x276: {  	s28 =	smul.u32 $0x1800, s28;
	_ =	swait.ge [sflag:s1], $0x7800  }
0x277: {  	s29 =	sand.u32 $0x380, s26;
	[sflag:s1] =	ssyncset.done $0x0  }
0x278: {  	s31 =	sor.u32 s29, s28;
	[sflag:s1] =	ssyncadd.s32 $0xFFFF8800  }
0x279: {  	v13 =	vld [tilespmem:s31+$0xA00]  }
0x27a: {  	v14 =	vld [tilespmem:s31+$0x9A00]  }
0x27b: {  	v15 =	vld [tilespmem:s31+$0xA10]  }
0x27c: {  	v16 =	vld [tilespmem:s31+$0x9A10]  }
0x27d: {  	v17 =	vld [tilespmem:s31+$0xA20]  }
0x27e: {  	v18 =	vld [tilespmem:s31+$0x9A20]  }
0x27f: {  	v19 =	vld [tilespmem:s31+$0xA30]  }
0x280: {  	v20 =	vld [tilespmem:s31+$0x9A30]  }
0x281: {  	v13 =	vmul.f32 v14, v13;
	v14 =	vmul.f32 v16, v15;
	v15 =	vld [tilespmem:s31+$0xA40]  }
0x282: {  	v16 =	vld [tilespmem:s31+$0x9A40]  }
0x283: {  	v13 =	vadd.f32 v14, v13;
	v14 =	vmul.f32 v18, v17;
	v17 =	vld [tilespmem:s31+$0xA50]  }
0x284: {  	v18 =	vld [tilespmem:s31+$0x9A50]  }
0x285: {  	v13 =	vadd.f32 v14, v13;
	v14 =	vmul.f32 v20, v19;
	v19 =	vld [tilespmem:s31+$0xA60]  }
0x286: {  	v20 =	vld [tilespmem:s31+$0x9A60]  }
0x287: {  	v13 =	vadd.f32 v14, v13;
	v14 =	vmul.f32 v16, v15;
	v15 =	vld [tilespmem:s31+$0xA70]  }
0x288: {  	v16 =	vld [tilespmem:s31+$0x9A70]  }
0x289: {  	v13 =	vadd.f32 v14, v13;
	v14 =	vmul.f32 v18, v17;
	v17 =	vld [tilespmem:s31+$0xE00]  }
0x28a: {  	v18 =	vld [tilespmem:s31+$0x9E00]  }
0x28b: {  	v13 =	vadd.f32 v14, v13;
	v14 =	vmul.f32 v20, v19;
	v19 =	vld [tilespmem:s31+$0xE10]  }
0x28c: {  	v20 =	vld [tilespmem:s31+$0x9E10]  }
0x28d: {  	v13 =	vadd.f32 v14, v13;
	v14 =	vmul.f32 v16, v15;
	v15 =	vld [tilespmem:s31+$0xE20]  }
0x28e: {  	v16 =	vld [tilespmem:s31+$0x9E20]  }
0x28f: {  	v13 =	vadd.f32 v14, v13;
	v14 =	vmul.f32 v18, v17;
	v17 =	vld [tilespmem:s31+$0xE30]  }
0x290: {  	v18 =	vld [tilespmem:s31+$0x9E30]  }
0x291: {  	v13 =	vadd.f32 v14, v13;
	v14 =	vmul.f32 v20, v19;
	v19 =	vld [tilespmem:s31+$0xE40]  }
0x292: {  	v20 =	vld [tilespmem:s31+$0x9E40]  }
0x293: {  	v13 =	vadd.f32 v14, v13;
	v14 =	vmul.f32 v16, v15;
	v15 =	vld [tilespmem:s31+$0xE50]  }
0x294: {  	v16 =	vld [tilespmem:s31+$0x9E50]  }
0x295: {  	v13 =	vadd.f32 v14, v13;
	v14 =	vmul.f32 v18, v17;
	v17 =	vld [tilespmem:s31+$0xE60]  }
0x296: {  	v18 =	vld [tilespmem:s31+$0x9E60]  }
0x297: {  	v13 =	vadd.f32 v14, v13;
	v14 =	vmul.f32 v20, v19;
	v19 =	vld [tilespmem:s31+$0xE70]  }
0x298: {  	v20 =	vld [tilespmem:s31+$0x9E70]  }
0x299: {  	v13 =	vadd.f32 v14, v13;
	v14 =	vmul.f32 v16, v15;
	v15 =	vld [tilespmem:s31+$0x1200]  }
0x29a: {  	v16 =	vld [tilespmem:s31+$0xA200]  }
0x29b: {  	v13 =	vadd.f32 v14, v13;
	v14 =	vmul.f32 v18, v17;
	v17 =	vld [tilespmem:s31+$0x1210]  }
0x29c: {  	v18 =	vld [tilespmem:s31+$0xA210]  }
0x29d: {  	v13 =	vadd.f32 v14, v13;
	v14 =	vmul.f32 v20, v19;
	v19 =	vld [tilespmem:s31+$0x1220]  }
0x29e: {  	v20 =	vld [tilespmem:s31+$0xA220]  }
0x29f: {  	v13 =	vadd.f32 v14, v13;
	v14 =	vmul.f32 v16, v15;
	v15 =	vld [tilespmem:s31+$0x1230]  }
0x2a0: {  	v16 =	vld [tilespmem:s31+$0xA230]  }
0x2a1: {  	v13 =	vadd.f32 v14, v13;
	v14 =	vmul.f32 v18, v17;
	v17 =	vld [tilespmem:s31+$0x1240]  }
0x2a2: {  	v18 =	vld [tilespmem:s31+$0xA240]  }
0x2a3: {  	v13 =	vadd.f32 v14, v13;
	v14 =	vmul.f32 v20, v19;
	v19 =	vld [tilespmem:s31+$0x1250]  }
0x2a4: {  	v20 =	vld [tilespmem:s31+$0xA250]  }
0x2a5: {  	v13 =	vadd.f32 v14, v13;
	v14 =	vmul.f32 v16, v15;
	v15 =	vld [tilespmem:s31+$0x1260]  }
0x2a6: {  	v16 =	vld [tilespmem:s31+$0xA260]  }
0x2a7: {  	v13 =	vadd.f32 v14, v13;
	v14 =	vmul.f32 v18, v17;
	v17 =	vld [tilespmem:s31+$0x1270]  }
0x2a8: {  	v18 =	vld [tilespmem:s31+$0xA270]  }
0x2a9: {  	v13 =	vadd.f32 v14, v13;
	v14 =	vmul.f32 v20, v19;
	v19 =	vld [tilespmem:s31+$0x1600]  }
0x2aa: {  	v20 =	vld [tilespmem:s31+$0xA600]  }
0x2ab: {  	v13 =	vadd.f32 v14, v13;
	v14 =	vmul.f32 v16, v15;
	v15 =	vld [tilespmem:s31+$0x1610]  }
0x2ac: {  	v16 =	vld [tilespmem:s31+$0xA610]  }
0x2ad: {  	v13 =	vadd.f32 v14, v13;
	v14 =	vmul.f32 v18, v17;
	v17 =	vld [tilespmem:s31+$0x1620]  }
0x2ae: {  	v18 =	vld [tilespmem:s31+$0xA620]  }
0x2af: {  	v13 =	vadd.f32 v14, v13;
	v14 =	vmul.f32 v20, v19;
	v19 =	vld [tilespmem:s31+$0x1630]  }
0x2b0: {  	v20 =	vld [tilespmem:s31+$0xA630]  }
0x2b1: {  	v13 =	vadd.f32 v14, v13;
	v14 =	vmul.f32 v16, v15;
	v15 =	vld [tilespmem:s31+$0x1640]  }
0x2b2: {  	v16 =	vld [tilespmem:s31+$0xA640]  }
0x2b3: {  	v13 =	vadd.f32 v14, v13;
	v14 =	vmul.f32 v18, v17;
	v17 =	vld [tilespmem:s31+$0x1650]  }
0x2b4: {  	v18 =	vld [tilespmem:s31+$0xA650]  }
0x2b5: {  	v13 =	vadd.f32 v14, v13;
	v14 =	vmul.f32 v20, v19;
	v19 =	vld [tilespmem:s31+$0x1660]  }
0x2b6: {  	v20 =	vld [tilespmem:s31+$0xA660]  }
0x2b7: {  	v13 =	vadd.f32 v14, v13;
	v14 =	vmul.f32 v16, v15;
	v15 =	vld [tilespmem:s31+$0x1670]  }
0x2b8: {  	v16 =	vld [tilespmem:s31+$0xA670]  }
0x2b9: {  	v13 =	vadd.f32 v14, v13;
	v14 =	vmul.f32 v18, v17;
	v17 =	vld [tilespmem:s31+$0x1A00]  }
0x2ba: {  	v18 =	vld [tilespmem:s31+$0xAA00]  }
0x2bb: {  	v13 =	vadd.f32 v14, v13;
	v14 =	vmul.f32 v20, v19;
	v19 =	vld [tilespmem:s31+$0x1A10]  }
0x2bc: {  	v20 =	vld [tilespmem:s31+$0xAA10]  }
0x2bd: {  	v13 =	vadd.f32 v14, v13;
	v14 =	vmul.f32 v16, v15;
	v15 =	vld [tilespmem:s31+$0x1A20]  }
0x2be: {  	v16 =	vld [tilespmem:s31+$0xAA20]  }
0x2bf: {  	v13 =	vadd.f32 v14, v13;
	v14 =	vmul.f32 v18, v17;
	v17 =	vld [tilespmem:s31+$0x1A30]  }
0x2c0: {  	v18 =	vld [tilespmem:s31+$0xAA30]  }
0x2c1: {  	v13 =	vadd.f32 v14, v13;
	v14 =	vmul.f32 v20, v19;
	v19 =	vld [tilespmem:s31+$0x1A40]  }
0x2c2: {  	v20 =	vld [tilespmem:s31+$0xAA40]  }
0x2c3: {  	v13 =	vadd.f32 v14, v13;
	v14 =	vmul.f32 v16, v15;
	v15 =	vld [tilespmem:s31+$0x1A50]  }
0x2c4: {  	v16 =	vld [tilespmem:s31+$0xAA50]  }
0x2c5: {  	v13 =	vadd.f32 v14, v13;
	v14 =	vmul.f32 v18, v17;
	v17 =	vld [tilespmem:s31+$0x1A60]  }
0x2c6: {  	v18 =	vld [tilespmem:s31+$0xAA60]  }
0x2c7: {  	v13 =	vadd.f32 v14, v13;
	v14 =	vmul.f32 v20, v19;
	v19 =	vld [tilespmem:s31+$0x1A70]  }
0x2c8: {  	v20 =	vld [tilespmem:s31+$0xAA70]  }
0x2c9: {  	v13 =	vadd.f32 v14, v13;
	v14 =	vmul.f32 v16, v15;
	v15 =	vld [tilespmem:s31+$0x1E00]  }
0x2ca: {  	v16 =	vld [tilespmem:s31+$0xAE00]  }
0x2cb: {  	v13 =	vadd.f32 v14, v13;
	v14 =	vmul.f32 v18, v17;
	v17 =	vld [tilespmem:s31+$0x1E10]  }
0x2cc: {  	v18 =	vld [tilespmem:s31+$0xAE10]  }
0x2cd: {  	v13 =	vadd.f32 v14, v13;
	v14 =	vmul.f32 v20, v19;
	v19 =	vld [tilespmem:s31+$0x1E20]  }
0x2ce: {  	v20 =	vld [tilespmem:s31+$0xAE20]  }
0x2cf: {  	v21 =	vld [tilespmem:s31+$0xAE30];
	v13 =	vadd.f32 v14, v13;
	v14 =	vmul.f32 v16, v15  }
0x2d0: {  	v15 =	vld [tilespmem:s31+$0x1E30]  }
0x2d1: {  	v23 =	vld [tilespmem:s31+$0x1E40];
	v13 =	vadd.f32 v14, v13;
	v14 =	vmul.f32 v18, v17  }
0x2d2: {  	v24 =	vld [tilespmem:s31+$0xAE40]  }
0x2d3: {  	v16 =	vld [tilespmem:s31+$0x1E50];
	v13 =	vadd.f32 v14, v13;
	v14 =	vmul.f32 v20, v19  }
0x2d4: {  	v18 =	vld [tilespmem:s31+$0xAE50]  }
0x2d5: {  	s28 =	simm.s32 $0x0;
	v17 =	vld [tilespmem:s31+$0x1E60];
	v15 =	vmul.f32 v21, v15;
	v14 =	vadd.f32 v14, v13  }
0x2d6: {  	s28 =	smul.u32 $0x1800, s28;
	s30 =	simm.s32 $0x80;
	v19 =	vld [tilespmem:s31+$0xAE60]  }
0x2d7: {  	s29 =	sand.u32 $0x380, s30;
	v23 =	vmul.f32 v24, v23;
	v20 =	vld [tilespmem:s31+$0x1E70];
	v22 =	vadd.f32 v15, v14  }
0x2d8: {  	s29 =	sor.u32 s29, s28;
	s28 =	simm.s32 $0x1;
	v21 =	vld [tilespmem:s31+$0xAE70];
	s31 =	simm.s32 $0x2;
	v13 =	vimm.f32 $-Inf;
	v14 =	vimm.f32 $-Inf;
	v15 =	vimm.f32 $-Inf  }
.LBB2_5:
0x2d9: {  	p4 =	sne.s32 s31, $0x20;
	v24 =	vld [tilespmem:s29+$0xA00];
	v22 =	vadd.f32 v23, v22;
	v16 =	vmul.f32 v18, v16  }
0x2da: {  	v18 =	vld [tilespmem:s29+$0x9A00]  }
0x2db: {  	v17 =	vmul.f32 v19, v17;
	v23 =	vld [tilespmem:s29+$0xA10];
	v16 =	vadd.f32 v16, v22  }
0x2dc: {  	v19 =	vld [tilespmem:s29+$0x9A10]  }
0x2dd: {  	v22 =	vld [tilespmem:s29+$0xA20];
	v16 =	vadd.f32 v17, v16;
	v17 =	vmul.f32 v21, v20  }
0x2de: {  	v20 =	vld [tilespmem:s29+$0x9A20]  }
0x2df: {  	v21 =	vld [tilespmem:s29+$0xA30];
	v16 =	vadd.f32 v17, v16  }
0x2e0: {  	v17 =	vld [tilespmem:s29+$0x9A30]  }
0x2e1: {  	v18 =	vmul.f32 v18, v24;
	v19 =	vmul.f32 v19, v23;
	v23 =	vld [tilespmem:s29+$0xA40];
	(xrf2) =	vadd.scan.msk.f32 $0xffff, v16  }
0x2e2: {  	v16 =	vld [tilespmem:s29+$0x9A40]  }
0x2e3: {  	v18 =	vadd.f32 v19, v18;
	v19 =	vmul.f32 v20, v22;
	v20 =	vld [tilespmem:s29+$0xA50]  }
0x2e4: {  	v22 =	vld [tilespmem:s29+$0x9A50]  }
0x2e5: {  	v18 =	vadd.f32 v19, v18;
	v17 =	vmul.f32 v17, v21;
	v19 =	vld [tilespmem:s29+$0xA60]  }
0x2e6: {  	v21 =	vld [tilespmem:s29+$0x9A60]  }
0x2e7: {  	v17 =	vadd.f32 v17, v18;
	v16 =	vmul.f32 v16, v23;
	v18 =	vld [tilespmem:s29+$0xA70]  }
0x2e8: {  	v23 =	vld [tilespmem:s29+$0x9A70]  }
0x2e9: {  	v16 =	vadd.f32 v16, v17;
	v17 =	vmul.f32 v22, v20;
	v20 =	vld [tilespmem:s29+$0xE00]  }
0x2ea: {  	v22 =	vld [tilespmem:s29+$0x9E00]  }
0x2eb: {  	v16 =	vadd.f32 v17, v16;
	v17 =	vmul.f32 v21, v19;
	v19 =	vld [tilespmem:s29+$0xE10];
	v21, _, _ =	vpop (xrf2)  }
0x2ec: {  	v25 =	vmov s26;
	s26 =	smov.u32 s28;
	s28 =	smov.u32 s31;
	v24 =	vld [tilespmem:s29+$0x9E10];
	v21 =	vbroadcast v21, $0xF  }
0x2ed: {  	vm2 =	veq.s32 v25, v8;
	v16 =	vadd.f32 v17, v16;
	v17 =	vmul.f32 v23, v18;
	v18 =	vld [tilespmem:s29+$0xE20]  }
0x2ee: {  	vm3 =	veq.s32 v25, v0;
	vm4 =	veq.s32 v25, v7;
	v23 =	vld [tilespmem:s29+$0x9E20];
	v13 =	vsel vm2, v21, v13  }
0x2ef: {  	v14 =	vsel vm3, v21, v14;
	v16 =	vadd.f32 v17, v16;
	v17 =	vmul.f32 v22, v20;
	v20 =	vld [tilespmem:s29+$0xE30]  }
0x2f0: {  	v15 =	vsel vm4, v21, v15;
	v22 =	vld [tilespmem:s29+$0x9E30]  }
0x2f1: {  	v16 =	vadd.f32 v17, v16;
	v17 =	vmul.f32 v24, v19;
	v19 =	vld [tilespmem:s29+$0xE40]  }
0x2f2: {  	v21 =	vld [tilespmem:s29+$0x9E40]  }
0x2f3: {  	v16 =	vadd.f32 v17, v16;
	v17 =	vmul.f32 v23, v18;
	v18 =	vld [tilespmem:s29+$0xE50]  }
0x2f4: {  	v23 =	vld [tilespmem:s29+$0x9E50]  }
0x2f5: {  	v16 =	vadd.f32 v17, v16;
	v17 =	vmul.f32 v22, v20;
	v20 =	vld [tilespmem:s29+$0xE60]  }
0x2f6: {  	v22 =	vld [tilespmem:s29+$0x9E60]  }
0x2f7: {  	v16 =	vadd.f32 v17, v16;
	v17 =	vmul.f32 v21, v19;
	v19 =	vld [tilespmem:s29+$0xE70]  }
0x2f8: {  	v21 =	vld [tilespmem:s29+$0x9E70]  }
0x2f9: {  	v16 =	vadd.f32 v17, v16;
	v17 =	vmul.f32 v23, v18;
	v18 =	vld [tilespmem:s29+$0x1200]  }
0x2fa: {  	v23 =	vld [tilespmem:s29+$0xA200]  }
0x2fb: {  	v16 =	vadd.f32 v17, v16;
	v17 =	vmul.f32 v22, v20;
	v20 =	vld [tilespmem:s29+$0x1210]  }
0x2fc: {  	v22 =	vld [tilespmem:s29+$0xA210]  }
0x2fd: {  	v16 =	vadd.f32 v17, v16;
	v17 =	vmul.f32 v21, v19;
	v19 =	vld [tilespmem:s29+$0x1220]  }
0x2fe: {  	v21 =	vld [tilespmem:s29+$0xA220]  }
0x2ff: {  	v16 =	vadd.f32 v17, v16;
	v17 =	vmul.f32 v23, v18;
	v18 =	vld [tilespmem:s29+$0x1230]  }
0x300: {  	v23 =	vld [tilespmem:s29+$0xA230]  }
0x301: {  	v16 =	vadd.f32 v17, v16;
	v17 =	vmul.f32 v22, v20;
	v20 =	vld [tilespmem:s29+$0x1240]  }
0x302: {  	v22 =	vld [tilespmem:s29+$0xA240]  }
0x303: {  	v16 =	vadd.f32 v17, v16;
	v17 =	vmul.f32 v21, v19;
	v19 =	vld [tilespmem:s29+$0x1250]  }
0x304: {  	v21 =	vld [tilespmem:s29+$0xA250]  }
0x305: {  	v16 =	vadd.f32 v17, v16;
	v17 =	vmul.f32 v23, v18;
	v18 =	vld [tilespmem:s29+$0x1260]  }
0x306: {  	v23 =	vld [tilespmem:s29+$0xA260]  }
0x307: {  	v16 =	vadd.f32 v17, v16;
	v17 =	vmul.f32 v22, v20;
	v20 =	vld [tilespmem:s29+$0x1270]  }
0x308: {  	v22 =	vld [tilespmem:s29+$0xA270]  }
0x309: {  	v16 =	vadd.f32 v17, v16;
	v17 =	vmul.f32 v21, v19;
	v19 =	vld [tilespmem:s29+$0x1600]  }
0x30a: {  	v21 =	vld [tilespmem:s29+$0xA600]  }
0x30b: {  	v16 =	vadd.f32 v17, v16;
	v17 =	vmul.f32 v23, v18;
	v18 =	vld [tilespmem:s29+$0x1610]  }
0x30c: {  	v23 =	vld [tilespmem:s29+$0xA610]  }
0x30d: {  	v16 =	vadd.f32 v17, v16;
	v17 =	vmul.f32 v22, v20;
	v20 =	vld [tilespmem:s29+$0x1620]  }
0x30e: {  	v22 =	vld [tilespmem:s29+$0xA620]  }
0x30f: {  	v16 =	vadd.f32 v17, v16;
	v17 =	vmul.f32 v21, v19;
	v19 =	vld [tilespmem:s29+$0x1630]  }
0x310: {  	v21 =	vld [tilespmem:s29+$0xA630]  }
0x311: {  	v16 =	vadd.f32 v17, v16;
	v17 =	vmul.f32 v23, v18;
	v18 =	vld [tilespmem:s29+$0x1640]  }
0x312: {  	v23 =	vld [tilespmem:s29+$0xA640]  }
0x313: {  	v16 =	vadd.f32 v17, v16;
	v17 =	vmul.f32 v22, v20;
	v20 =	vld [tilespmem:s29+$0x1650]  }
0x314: {  	v22 =	vld [tilespmem:s29+$0xA650]  }
0x315: {  	v16 =	vadd.f32 v17, v16;
	v17 =	vmul.f32 v21, v19;
	v19 =	vld [tilespmem:s29+$0x1660]  }
0x316: {  	v21 =	vld [tilespmem:s29+$0xA660]  }
0x317: {  	v16 =	vadd.f32 v17, v16;
	v17 =	vmul.f32 v23, v18;
	v18 =	vld [tilespmem:s29+$0x1670]  }
0x318: {  	v23 =	vld [tilespmem:s29+$0xA670]  }
0x319: {  	v16 =	vadd.f32 v17, v16;
	v17 =	vmul.f32 v22, v20;
	v20 =	vld [tilespmem:s29+$0x1A00]  }
0x31a: {  	v22 =	vld [tilespmem:s29+$0xAA00]  }
0x31b: {  	v16 =	vadd.f32 v17, v16;
	v17 =	vmul.f32 v21, v19;
	v19 =	vld [tilespmem:s29+$0x1A10]  }
0x31c: {  	v21 =	vld [tilespmem:s29+$0xAA10]  }
0x31d: {  	v16 =	vadd.f32 v17, v16;
	v17 =	vmul.f32 v23, v18;
	v18 =	vld [tilespmem:s29+$0x1A20]  }
0x31e: {  	v23 =	vld [tilespmem:s29+$0xAA20]  }
0x31f: {  	v16 =	vadd.f32 v17, v16;
	v17 =	vmul.f32 v22, v20;
	v20 =	vld [tilespmem:s29+$0x1A30]  }
0x320: {  	v22 =	vld [tilespmem:s29+$0xAA30]  }
0x321: {  	v16 =	vadd.f32 v17, v16;
	v17 =	vmul.f32 v21, v19;
	v19 =	vld [tilespmem:s29+$0x1A40]  }
0x322: {  	v21 =	vld [tilespmem:s29+$0xAA40]  }
0x323: {  	v16 =	vadd.f32 v17, v16;
	v17 =	vmul.f32 v23, v18;
	v18 =	vld [tilespmem:s29+$0x1A50]  }
0x324: {  	v23 =	vld [tilespmem:s29+$0xAA50]  }
0x325: {  	v16 =	vadd.f32 v17, v16;
	v17 =	vmul.f32 v22, v20;
	v20 =	vld [tilespmem:s29+$0x1A60]  }
0x326: {  	v22 =	vld [tilespmem:s29+$0xAA60]  }
0x327: {  	v16 =	vadd.f32 v17, v16;
	v17 =	vmul.f32 v21, v19;
	v19 =	vld [tilespmem:s29+$0x1A70]  }
0x328: {  	v21 =	vld [tilespmem:s29+$0xAA70]  }
0x329: {  	v16 =	vadd.f32 v17, v16;
	v17 =	vmul.f32 v23, v18;
	v18 =	vld [tilespmem:s29+$0x1E00]  }
0x32a: {  	v23 =	vld [tilespmem:s29+$0xAE00]  }
0x32b: {  	v16 =	vadd.f32 v17, v16;
	v17 =	vmul.f32 v22, v20;
	v20 =	vld [tilespmem:s29+$0x1E10]  }
0x32c: {  	v22 =	vld [tilespmem:s29+$0xAE10]  }
0x32d: {  	v16 =	vadd.f32 v17, v16;
	v17 =	vmul.f32 v21, v19;
	v19 =	vld [tilespmem:s29+$0x1E20]  }
0x32e: {  	v21 =	vld [tilespmem:s29+$0xAE20]  }
0x32f: {  	v16 =	vadd.f32 v17, v16;
	v17 =	vmul.f32 v23, v18;
	v23 =	vld [tilespmem:s29+$0x1E30]  }
0x330: {  	v24 =	vld [tilespmem:s29+$0xAE30]  }
0x331: {  	v16 =	vadd.f32 v17, v16;
	v17 =	vmul.f32 v22, v20;
	v20 =	vld [tilespmem:s29+$0x1E40]  }
0x332: {  	v25 =	vld [tilespmem:s29+$0xAE40]  }
0x333: {  	v17 =	vadd.f32 v17, v16;
	v19 =	vmul.f32 v21, v19;
	v16 =	vld [tilespmem:s29+$0x1E50]  }
.Ltmp4:
0x334: {  	v18 =	vld [tilespmem:s29+$0xAE50];
	(pc) =	sbr.rel @p4 .LBB2_5-.Ltmp4, $4  }
0x335: {  	s2 =	sshrl.u32 s31, $0x3;
	v21 =	vadd.f32 v19, v17;
	v22 =	vmul.f32 v24, v23;
	v17 =	vld [tilespmem:s29+$0x1E60]  }
0x336: {  	s30 =	sadd.s32 $0x80, s30;
	s2 =	smul.u32 $0x1800, s2;
	v19 =	vld [tilespmem:s29+$0xAE60]  }
0x337: {  	s3 =	sand.u32 $0x380, s30;
	v22 =	vadd.f32 v22, v21;
	v23 =	vmul.f32 v25, v20;
	v20 =	vld [tilespmem:s29+$0x1E70]  }
0x338: {  	s31 =	sadd.s32 $0x1, s31;
	v21 =	vld [tilespmem:s29+$0xAE70];
	s29 =	sor.u32 s3, s2  }
.Ltmp5:
0x339: {  	_ = 	snop;
	(pc) =	sbr.rel .LBB2_6-.Ltmp5, $1  }
0x33a: {  	_ =	sdelay $0x3  }
.LBB2_7:
.Ltmp6:
0x33b: {  	(pc) =	sbr.rel @p3 .LBB2_9-.Ltmp6, $4  }
.Ltmp7:
0x33c: {  	(pc) =	sbr.rel @!p3 .LBB2_8-.Ltmp7, $4  }
0x33d: {  	_ = 	snop  }
0x33e: {  	[bflag:$0x0] =	sbarrier.arrive $0xFFFF  }
0x33f: {  	_ = 	snop  }
0x340: {  	_ = 	snop  }
.LBB2_10:
0x341: {  	_ =	sfence.sel $0x180000  }
0x342: {  	[bflag:$0x0] =	sbarrier.arrive $0xFFFF  }
0x343: {  	_ =	strace $0x90000047  }
0x344: {  	s0 =	stileid.u32;
	[bflag:$0x2] =	sbarrier.arrive $0xFFFF  }
0x345: {  	p0 =	sne.s32 s0, $0x0;
	s0 =	rddreg [dreg:$0x7]  }
0x346: {  	s0 =	sadd.s32 @!p0 $0x100000, s0  }
0x347: {  	[sflag:s0] =	ssyncadd.tile.s32 @!p0 $0x1;
	_ =	shalt  }
.Lfunc_end2:
_tile_overlayer_lowered:
.L_overlay_start_2:
0x348: {  	(tag) =	ssettag $0x2  }
0x349: {  	s0 =	rddreg [dreg:$0x0];
	s2 =	stileid.u32  }
0x34a: {  	s1 =	rddreg [dreg:$0x1];
	p0 =	sne.s32 s2, $0x0  }
0x34b: {  	s3 =	rddreg [dreg:$0x2];
	[bflag:$0x3] =	sbarrier.arrive $0xFFFF;
	s2 =	simm.s32 @!p0 $0x1C05  }
0x34c: {  	[timem:s3], [sflag:s2] =	dma.local @!p0 [hbm:s0], s1  }
0x34d: {  	s0 =	simm.s32 @!p0 $0x5  }
0x34e: {  	_ =	swait.ge @!p0 [sflag:s0], s1  }
0x34f: {  	s1 =	ssub.s32 @!p0 $0x0, s1;
	[sflag:s0] =	ssyncset.done @!p0 $0x0  }
0x350: {  	[sflag:s0] =	ssyncadd.s32 @!p0 s1  }
0x351: {  	[bflag:$0x3] =	sbarrier.arrive $0xFFFF  }
0x352: {  	_ =	shalt  }

</sc_bundles>
